<compile_context>
chip_gen: v7x
topology: tpu7x:2x2x1
jax: 0.10.2.dev20260603
libtpu: 0.0.44.dev20260713+nightly
codegen_flags: <defaults>
</compile_context>

<pallas_src>
import functools

import jax
import jax.numpy as jnp
from jax import lax
from jax.experimental import pallas as pl
from jax.experimental.pallas import tpu as pltpu
from jax.experimental.pallas import tpu_sc as plsc

N = 10000
NP = 10240
D = 128
E = 320000

CHUNK = 128
NC, NS = 2, 16
NW = NC * NS
NCHUNK = 80
NBLK = 2
CPB = NCHUNK // NBLK
EPT = NCHUNK * CHUNK
ROWS_PT = NP // NS

_MESH = plsc.VectorSubcoreMesh(core_axis_name="c", subcore_axis_name="s")



@functools.partial(
    pl.kernel,
    out_type=jax.ShapeDtypeStruct((NC, NP, D), jnp.float32),
    mesh=_MESH,
    scratch_types=[
        pltpu.VMEM((CPB, CHUNK), jnp.int32),
        pltpu.VMEM((NCHUNK, CHUNK), jnp.int32),
        pltpu.VMEM((CHUNK, D), jnp.float32),
        pltpu.VMEM_SHARED((NP, D), jnp.float32),
    ],
)
def _edge_pass(g_hbm, row_hbm, col_hbm, p_hbm, row_v, col_v, buf, acc):
    cid = lax.axis_index("c")
    sid = lax.axis_index("s")
    wid = cid * NS + sid
    pltpu.sync_copy(col_hbm.at[wid], col_v)
    sl = pl.ds(sid * ROWS_PT, ROWS_PT)
    pltpu.sync_copy(g_hbm.at[sl], acc.at[sl])
    plsc.subcore_barrier()

    @pl.loop(0, NBLK)
    def _(b):
        pltpu.sync_copy(row_hbm.at[wid, b], row_v)
        base = b * CPB

        @pl.loop(0, CPB)
        def _(j):
            pltpu.sync_copy(g_hbm.at[row_v.at[j]], buf)
            pltpu.sync_copy(buf, acc.at[col_v.at[base + j]], add=True)

    plsc.subcore_barrier()
    pltpu.sync_copy(acc.at[sl], p_hbm.at[cid].at[sl])


@functools.partial(
    pl.kernel,
    out_type=jax.ShapeDtypeStruct((NC, NP, D), jnp.float32),
    mesh=_MESH,
    scratch_types=[
        pltpu.VMEM((NCHUNK, CHUNK), jnp.int32),
        pltpu.VMEM((CHUNK, D), jnp.float32),
        pltpu.VMEM_SHARED((NP, D), jnp.float32),
    ],
)
def _deg_pass(ones_hbm, col_hbm, d_hbm, col_v, ones_v, acc):
    cid = lax.axis_index("c")
    sid = lax.axis_index("s")
    wid = cid * NS + sid
    pltpu.sync_copy(col_hbm.at[wid], col_v)
    pltpu.sync_copy(ones_hbm.at[pl.ds(0, CHUNK)], ones_v)
    sl = pl.ds(sid * ROWS_PT, ROWS_PT)
    pltpu.sync_copy(ones_hbm.at[sl], acc.at[sl])
    plsc.subcore_barrier()

    @pl.loop(0, NCHUNK)
    def _(j):
        pltpu.sync_copy(ones_v, acc.at[col_v.at[j]], add=True)

    plsc.subcore_barrier()
    pltpu.sync_copy(acc.at[sl], d_hbm.at[cid].at[sl])



_BR = 640


def _dinv_of(d_ref):
    deg = d_ref[0, :, 0:1] + d_ref[1, :, 0:1] - 1.0
    return lax.rsqrt(deg)


def _tc_first_body(x_ref, wt_ref, d_ref, g_ref):
    dinv = _dinv_of(d_ref)
    h = jnp.dot(x_ref[...], wt_ref[...], preferred_element_type=jnp.float32)
    g_ref[...] = h * dinv


def _tc_mid_body(p_ref, g_ref, d_ref, b_ref, wt_ref, go_ref):
    dinv = _dinv_of(d_ref)
    u = dinv * (p_ref[0] + p_ref[1] - g_ref[...]) + b_ref[...]
    y = jnp.maximum(u, 0.0)
    go_ref[...] = jnp.dot(y, wt_ref[...], preferred_element_type=jnp.float32) * dinv


def _tc_final_body(p_ref, g_ref, d_ref, b_ref, o_ref):
    dinv = _dinv_of(d_ref)
    o_ref[...] = dinv * (p_ref[0] + p_ref[1] - g_ref[...]) + b_ref[...]


_rows_spec = pl.BlockSpec((_BR, D), lambda i: (i, 0))
_p_spec = pl.BlockSpec((NC, _BR, D), lambda i: (0, i, 0))
_deg_spec = pl.BlockSpec((NC, _BR, D), lambda i: (0, i, 0))
_w_spec = pl.BlockSpec((D, D), lambda i: (0, 0))
_b_spec = pl.BlockSpec((1, D), lambda i: (0, 0))
_out_f32 = jax.ShapeDtypeStruct((NP, D), jnp.float32)

_tc_first = pl.pallas_call(
    _tc_first_body, grid=(NP // _BR,),
    in_specs=[_rows_spec, _w_spec, _deg_spec],
    out_specs=_rows_spec, out_shape=_out_f32)

_tc_mid = pl.pallas_call(
    _tc_mid_body, grid=(NP // _BR,),
    in_specs=[_p_spec, _rows_spec, _deg_spec, _b_spec, _w_spec],
    out_specs=_rows_spec, out_shape=_out_f32)

_tc_final = pl.pallas_call(
    _tc_final_body, grid=(NP // _BR,),
    in_specs=[_p_spec, _rows_spec, _deg_spec, _b_spec],
    out_specs=_rows_spec, out_shape=_out_f32)



def kernel(x, edge_index, W1, b1, W2, b2, W3, b3):
    ept = E // NW
    row_flat = edge_index[0].reshape(NW, ept)
    col_flat = edge_index[1].reshape(NW, ept)
    rpad = jnp.zeros((NW, EPT - ept), jnp.int32)
    cpad = jnp.broadcast_to(N + jnp.arange(EPT - ept, dtype=jnp.int32) % (NP - N),
                            (NW, EPT - ept))
    row4d = jnp.concatenate([row_flat, rpad], axis=1).reshape(NW, NBLK, CPB, CHUNK)
    col3d = jnp.concatenate([col_flat, cpad], axis=1).reshape(NW, NCHUNK, CHUNK)
    ones = jnp.ones((NP, D), jnp.float32)
    xp = jnp.zeros((NP, D), x.dtype).at[:N].set(x)

    d = _deg_pass(ones, col3d)
    g1 = _tc_first(xp, W1.T, d)
    p = _edge_pass(g1, row4d, col3d)
    g2 = _tc_mid(p, g1, d, b1.reshape(1, D), W2.T)
    p = _edge_pass(g2, row4d, col3d)
    g3 = _tc_mid(p, g2, d, b2.reshape(1, D), W3.T)
    p = _edge_pass(g3, row4d, col3d)
    return _tc_final(p, g3, d, b3.reshape(1, D))[:N]

# --- scband reference (transcript-rebuilt; emitter-appended) ---
"""Pipeline reference for scband-employee-gcnencoder-43233140802156 (READ-ONLY COPY).

The authoritative reference and input builder live on the scoring server;
editing this copy changes nothing except your own understanding.
"""

import jax, jax.numpy as jnp
import numpy as np

N = 10000
E = 320000
D_IN = 128
H = 128


def setup_inputs(seed: int = 0) -> dict:
    key = jax.random.key(seed)
    ks = jax.random.split(key, 8)
    x = jax.random.normal(ks[0], (N, D_IN), dtype=jnp.float32)
    edge_index = jax.random.randint(ks[1], (2, E), 0, N, dtype=jnp.int32)
    def glorot(k, fan_in, fan_out):
        limit = np.sqrt(6.0 / (fan_in + fan_out)).astype(np.float32)
        return jax.random.uniform(k, (fan_out, fan_in), dtype=jnp.float32, minval=-limit, maxval=limit)
    W1 = glorot(ks[2], D_IN, H)
    b1 = jnp.zeros((H,), dtype=jnp.float32)
    W2 = glorot(ks[3], H, H)
    b2 = jnp.zeros((H,), dtype=jnp.float32)
    W3 = glorot(ks[4], H, H)
    b3 = jnp.zeros((H,), dtype=jnp.float32)
    return {"x": x, "edge_index": edge_index, "W1": W1, "b1": b1, "W2": W2, "b2": b2, "W3": W3, "b3": b3}


def _gcn_conv(x, row, col, norm, W, b, num_nodes):
    # PyG GCNConv (eval): x' = scatter_add(norm * (x W^T)[row] -> col) + b
    h = x @ W.T
    msg = h[row] * norm[:, None]
    out = jax.ops.segment_sum(msg, col, num_segments=num_nodes)
    return out + b


def reference(x, edge_index, W1, b1, W2, b2, W3, b3):
    num_nodes = x.shape[0]
    # add self-loops (GCNConv default add_self_loops=True)
    loop = jnp.arange(num_nodes, dtype=edge_index.dtype)
    row = jnp.concatenate([edge_index[0], loop])
    col = jnp.concatenate([edge_index[1], loop])
    # symmetric normalization: deg computed over target (col) with unit weights
    deg = jax.ops.segment_sum(jnp.ones_like(row, dtype=jnp.float32), col, num_segments=num_nodes)
    deg_inv_sqrt = jnp.where(deg > 0, jax.lax.rsqrt(jnp.maximum(deg, 1e-12)), 0.0)
    norm = deg_inv_sqrt[row] * deg_inv_sqrt[col]
    # layer 1
    h = _gcn_conv(x, row, col, norm, W1, b1, num_nodes)
    h = jax.nn.relu(h)
    # layer 2
    h = _gcn_conv(h, row, col, norm, W2, b2, num_nodes)
    h = jax.nn.relu(h)
    # layer 3 (no activation, eval mode so all dropout is identity)
    h = _gcn_conv(h, row, col, norm, W3, b3, num_nodes)
    return h

if __name__ == "__main__":
    import jax
    _d = setup_inputs()
    print(jax.jit(kernel)(*tuple(_d.values())))

</pallas_src>

<mosaic_0001>
#map = affine_map<(d0, d1) -> (0, 0)>
#map1 = affine_map<(d0, d1) -> (0, 0, 0, 0)>
#map2 = affine_map<(d0, d1) -> (0, 0, 0)>
module attributes {stable_mosaic.version = 14 : i64} {
  func.func @_edge_pass(%arg0: i32, %arg1: i32, %arg2: memref<10240x128xf32, #tpu.memory_space<hbm>>, %arg3: memref<32x2x40x128xi32, #tpu.memory_space<hbm>>, %arg4: memref<32x80x128xi32, #tpu.memory_space<hbm>>, %arg5: memref<2x10240x128xf32, #tpu.memory_space<hbm>>, %arg6: memref<40x128xi32, #tpu.memory_space<vmem>>, %arg7: memref<80x128xi32, #tpu.memory_space<vmem>>, %arg8: memref<128x128xf32, #tpu.memory_space<vmem>>, %arg9: memref<10240x128xf32, #tpu.memory_space<vmem_shared>>) attributes {dimension_semantics = [#tpu.dimension_semantics<core_parallel>, #tpu.dimension_semantics<subcore_parallel>], iteration_bounds = array<i64: 2, 16>, scalar_prefetch = 0 : i64, scratch_operands = 4 : i64, tpu.core_type = #tpu.core_type<sc_vector_subcore>, window_params = [{transform_indices = #map}, {transform_indices = #map1}, {transform_indices = #map2}, {transform_indices = #map2}]} {
    %mul3A = arith.constant 16 : i32
    %mul3A_0 = arith.muli %arg0, %mul3A : i32
    %add3A = arith.addi %mul3A_0, %arg1 : i32
    "tpu.region"() ({
      %run_scoped3A = tpu.sem_alloc : memref<!tpu.dma_semaphore, #tpu.memory_space<semaphore_mem>>
      %dma_start3A = arith.constant 0 : i32
      %dma_start3A_8 = arith.constant 0 : i32
      %dma_start3A_9 = tpu.memref_slice %arg4[%add3A, %dma_start3A, %dma_start3A_8] : memref<32x80x128xi32, #tpu.memory_space<hbm>> -> memref<1x80x128xi32, #tpu.memory_space<hbm>>
      %dma_start3A_10 = tpu.memref_squeeze %dma_start3A_9 : memref<1x80x128xi32, #tpu.memory_space<hbm>> -> memref<80x128xi32, #tpu.memory_space<hbm>>
      %dma_start3A_11 = arith.constant 0 : i32
      %dma_start3A_12 = arith.constant 0 : i32
      %dma_start3A_13 = tpu.memref_slice %arg4[%add3A, %dma_start3A_11, %dma_start3A_12] : memref<32x80x128xi32, #tpu.memory_space<hbm>> -> memref<1x80x128xi32, #tpu.memory_space<hbm>>
      %dma_start3A_14 = tpu.memref_squeeze %dma_start3A_13 : memref<1x80x128xi32, #tpu.memory_space<hbm>> -> memref<80x128xi32, #tpu.memory_space<hbm>>
      tpu.enqueue_dma source(%dma_start3A_14 : memref<80x128xi32, #tpu.memory_space<hbm>>) target(%arg7 : memref<80x128xi32, #tpu.memory_space<vmem>>) target_semaphore(%run_scoped3A : memref<!tpu.dma_semaphore, #tpu.memory_space<semaphore_mem>>)
      %dma_wait3A = arith.constant 0 : i32
      %dma_wait3A_15 = arith.constant 0 : i32
      %dma_wait3A_16 = tpu.memref_slice %arg4[%add3A, %dma_wait3A, %dma_wait3A_15] : memref<32x80x128xi32, #tpu.memory_space<hbm>> -> memref<1x80x128xi32, #tpu.memory_space<hbm>>
      %dma_wait3A_17 = tpu.memref_squeeze %dma_wait3A_16 : memref<1x80x128xi32, #tpu.memory_space<hbm>> -> memref<80x128xi32, #tpu.memory_space<hbm>>
      %dma_wait3A_18 = arith.constant 0 : i32
      %dma_wait3A_19 = arith.constant 0 : i32
      %dma_wait3A_20 = tpu.memref_slice %arg4[%add3A, %dma_wait3A_18, %dma_wait3A_19] : memref<32x80x128xi32, #tpu.memory_space<hbm>> -> memref<1x80x128xi32, #tpu.memory_space<hbm>>
      %dma_wait3A_21 = tpu.memref_squeeze %dma_wait3A_20 : memref<1x80x128xi32, #tpu.memory_space<hbm>> -> memref<80x128xi32, #tpu.memory_space<hbm>>
      tpu.wait_dma2 semaphore(%run_scoped3A : memref<!tpu.dma_semaphore, #tpu.memory_space<semaphore_mem>>) src(%dma_wait3A_21 : memref<80x128xi32, #tpu.memory_space<hbm>>) dst(%arg7 : memref<80x128xi32, #tpu.memory_space<vmem>>)
      tpu.yield
    }) : () -> ()
    %mul3A_1 = arith.constant 640 : i32
    %mul3A_2 = arith.muli %arg1, %mul3A_1 : i32
    "tpu.region"() ({
      %run_scoped3A = tpu.sem_alloc : memref<!tpu.dma_semaphore, #tpu.memory_space<semaphore_mem>>
      %dma_start3A = arith.constant 0 : i32
      %dma_start3A_8 = tpu.memref_slice %arg9[%mul3A_2, %dma_start3A] : memref<10240x128xf32, #tpu.memory_space<vmem_shared>> -> memref<640x128xf32, #tpu.memory_space<vmem_shared>>
      %dma_start3A_9 = arith.constant 0 : i32
      %dma_start3A_10 = tpu.memref_slice %arg2[%mul3A_2, %dma_start3A_9] : memref<10240x128xf32, #tpu.memory_space<hbm>> -> memref<640x128xf32, #tpu.memory_space<hbm>>
      tpu.enqueue_dma source(%dma_start3A_10 : memref<640x128xf32, #tpu.memory_space<hbm>>) target(%dma_start3A_8 : memref<640x128xf32, #tpu.memory_space<vmem_shared>>) target_semaphore(%run_scoped3A : memref<!tpu.dma_semaphore, #tpu.memory_space<semaphore_mem>>)
      %dma_wait3A = arith.constant 0 : i32
      %dma_wait3A_11 = tpu.memref_slice %arg9[%mul3A_2, %dma_wait3A] : memref<10240x128xf32, #tpu.memory_space<vmem_shared>> -> memref<640x128xf32, #tpu.memory_space<vmem_shared>>
      %dma_wait3A_12 = arith.constant 0 : i32
      %dma_wait3A_13 = tpu.memref_slice %arg2[%mul3A_2, %dma_wait3A_12] : memref<10240x128xf32, #tpu.memory_space<hbm>> -> memref<640x128xf32, #tpu.memory_space<hbm>>
      tpu.wait_dma2 semaphore(%run_scoped3A : memref<!tpu.dma_semaphore, #tpu.memory_space<semaphore_mem>>) src(%dma_wait3A_13 : memref<640x128xf32, #tpu.memory_space<hbm>>) dst(%dma_wait3A_11 : memref<640x128xf32, #tpu.memory_space<vmem_shared>>)
      tpu.yield
    }) : () -> ()
    %barrier3A = arith.constant 0 : index
    tpu.barrier barrier_id(%barrier3A)
    %scan3A = arith.constant 0 : i32
    %scan3A_3 = arith.constant 2 : i32
    %scan3A_4 = arith.addi %scan3A, %scan3A_3 : i32
    %scan3A_5 = arith.constant 1 : i32
    scf.for %scan3A_8 = %scan3A to %scan3A_4 step %scan3A_5  : i32 {
      %mul3A_9 = arith.constant 1 : i32
      %mul3A_10 = arith.muli %scan3A_8, %mul3A_9 : i32
      %add3A_11 = arith.constant 0 : i32
      %add3A_12 = arith.addi %add3A_11, %mul3A_10 : i32
      "tpu.region"() ({
        %run_scoped3A = tpu.sem_alloc : memref<!tpu.dma_semaphore, #tpu.memory_space<semaphore_mem>>
        %dma_start3A = arith.constant 0 : i32
        %dma_start3A_20 = arith.constant 0 : i32
        %dma_start3A_21 = tpu.memref_slice %arg3[%add3A, %add3A_12, %dma_start3A, %dma_start3A_20] : memref<32x2x40x128xi32, #tpu.memory_space<hbm>> -> memref<1x1x40x128xi32, #tpu.memory_space<hbm>>
        %dma_start3A_22 = tpu.memref_squeeze %dma_start3A_21 : memref<1x1x40x128xi32, #tpu.memory_space<hbm>> -> memref<40x128xi32, #tpu.memory_space<hbm>>
        %dma_start3A_23 = arith.constant 0 : i32
        %dma_start3A_24 = arith.constant 0 : i32
        %dma_start3A_25 = tpu.memref_slice %arg3[%add3A, %add3A_12, %dma_start3A_23, %dma_start3A_24] : memref<32x2x40x128xi32, #tpu.memory_space<hbm>> -> memref<1x1x40x128xi32, #tpu.memory_space<hbm>>
        %dma_start3A_26 = tpu.memref_squeeze %dma_start3A_25 : memref<1x1x40x128xi32, #tpu.memory_space<hbm>> -> memref<40x128xi32, #tpu.memory_space<hbm>>
        tpu.enqueue_dma source(%dma_start3A_26 : memref<40x128xi32, #tpu.memory_space<hbm>>) target(%arg6 : memref<40x128xi32, #tpu.memory_space<vmem>>) target_semaphore(%run_scoped3A : memref<!tpu.dma_semaphore, #tpu.memory_space<semaphore_mem>>)
        %dma_wait3A = arith.constant 0 : i32
        %dma_wait3A_27 = arith.constant 0 : i32
        %dma_wait3A_28 = tpu.memref_slice %arg3[%add3A, %add3A_12, %dma_wait3A, %dma_wait3A_27] : memref<32x2x40x128xi32, #tpu.memory_space<hbm>> -> memref<1x1x40x128xi32, #tpu.memory_space<hbm>>
        %dma_wait3A_29 = tpu.memref_squeeze %dma_wait3A_28 : memref<1x1x40x128xi32, #tpu.memory_space<hbm>> -> memref<40x128xi32, #tpu.memory_space<hbm>>
        %dma_wait3A_30 = arith.constant 0 : i32
        %dma_wait3A_31 = arith.constant 0 : i32
        %dma_wait3A_32 = tpu.memref_slice %arg3[%add3A, %add3A_12, %dma_wait3A_30, %dma_wait3A_31] : memref<32x2x40x128xi32, #tpu.memory_space<hbm>> -> memref<1x1x40x128xi32, #tpu.memory_space<hbm>>
        %dma_wait3A_33 = tpu.memref_squeeze %dma_wait3A_32 : memref<1x1x40x128xi32, #tpu.memory_space<hbm>> -> memref<40x128xi32, #tpu.memory_space<hbm>>
        tpu.wait_dma2 semaphore(%run_scoped3A : memref<!tpu.dma_semaphore, #tpu.memory_space<semaphore_mem>>) src(%dma_wait3A_33 : memref<40x128xi32, #tpu.memory_space<hbm>>) dst(%arg6 : memref<40x128xi32, #tpu.memory_space<vmem>>)
        tpu.yield
      }) : () -> ()
      %mul3A_13 = arith.constant 40 : i32
      %mul3A_14 = arith.muli %add3A_12, %mul3A_13 : i32
      %scan3A_15 = arith.constant 0 : i32
      %scan3A_16 = arith.constant 40 : i32
      %scan3A_17 = arith.addi %scan3A_15, %scan3A_16 : i32
      %scan3A_18 = arith.constant 1 : i32
      scf.for %scan3A_20 = %scan3A_15 to %scan3A_17 step %scan3A_18  : i32 {
        %mul3A_21 = arith.constant 1 : i32
        %mul3A_22 = arith.muli %scan3A_20, %mul3A_21 : i32
        %add3A_23 = arith.constant 0 : i32
        %add3A_24 = arith.addi %add3A_23, %mul3A_22 : i32
        "tpu.region"() ({
          %run_scoped3A = tpu.sem_alloc : memref<!tpu.dma_semaphore, #tpu.memory_space<semaphore_mem>>
          %dma_start3A = arith.constant 0 : i32
          %dma_start3A_26 = tpu.memref_slice %arg6[%add3A_24, %dma_start3A] : memref<40x128xi32, #tpu.memory_space<vmem>> -> memref<1x128xi32, #tpu.memory_space<vmem>>
          %dma_start3A_27 = tpu.memref_squeeze %dma_start3A_26 : memref<1x128xi32, #tpu.memory_space<vmem>> -> memref<128xi32, #tpu.memory_space<vmem>>
          %dma_start3A_28 = arith.constant 0 : i32
          %dma_start3A_29 = arith.constant 0 : i32
          %dma_start3A_30 = tpu.memref_slice %arg2[%dma_start3A_28, %dma_start3A_29] : memref<10240x128xf32, #tpu.memory_space<hbm>> -> memref<10240x128xf32, #tpu.memory_space<hbm>>
          tpu.enqueue_indirect_dma source(%dma_start3A_30 : memref<10240x128xf32, #tpu.memory_space<hbm>>) target(%arg8 : memref<128x128xf32, #tpu.memory_space<vmem>>) offsets(%dma_start3A_27 : memref<128xi32, #tpu.memory_space<vmem>>) semaphore(%run_scoped3A : memref<!tpu.dma_semaphore, #tpu.memory_space<semaphore_mem>>)
          %dma_wait3A = arith.constant 0 : i32
          %dma_wait3A_31 = tpu.memref_slice %arg6[%add3A_24, %dma_wait3A] : memref<40x128xi32, #tpu.memory_space<vmem>> -> memref<1x128xi32, #tpu.memory_space<vmem>>
          %dma_wait3A_32 = tpu.memref_squeeze %dma_wait3A_31 : memref<1x128xi32, #tpu.memory_space<vmem>> -> memref<128xi32, #tpu.memory_space<vmem>>
          %dma_wait3A_33 = arith.constant 0 : i32
          %dma_wait3A_34 = arith.constant 0 : i32
          %dma_wait3A_35 = tpu.memref_slice %arg2[%dma_wait3A_33, %dma_wait3A_34] : memref<10240x128xf32, #tpu.memory_space<hbm>> -> memref<10240x128xf32, #tpu.memory_space<hbm>>
          tpu.wait_indirect_dma semaphore(%run_scoped3A : memref<!tpu.dma_semaphore, #tpu.memory_space<semaphore_mem>>) src(%dma_wait3A_35 : memref<10240x128xf32, #tpu.memory_space<hbm>>) dst(%arg8 : memref<128x128xf32, #tpu.memory_space<vmem>>)
          tpu.yield
        }) : () -> ()
        %add3A_25 = arith.addi %mul3A_14, %add3A_24 : i32
        "tpu.region"() ({
          %run_scoped3A = tpu.sem_alloc : memref<!tpu.dma_semaphore, #tpu.memory_space<semaphore_mem>>
          %dma_start3A = arith.constant 0 : i32
          %dma_start3A_26 = tpu.memref_slice %arg7[%add3A_25, %dma_start3A] : memref<80x128xi32, #tpu.memory_space<vmem>> -> memref<1x128xi32, #tpu.memory_space<vmem>>
          %dma_start3A_27 = tpu.memref_squeeze %dma_start3A_26 : memref<1x128xi32, #tpu.memory_space<vmem>> -> memref<128xi32, #tpu.memory_space<vmem>>
          %dma_start3A_28 = arith.constant 0 : i32
          %dma_start3A_29 = arith.constant 0 : i32
          %dma_start3A_30 = tpu.memref_slice %arg9[%dma_start3A_28, %dma_start3A_29] : memref<10240x128xf32, #tpu.memory_space<vmem_shared>> -> memref<10240x128xf32, #tpu.memory_space<vmem_shared>>
          tpu.enqueue_indirect_dma source(%arg8 : memref<128x128xf32, #tpu.memory_space<vmem>>) target(%dma_start3A_30 : memref<10240x128xf32, #tpu.memory_space<vmem_shared>>) offsets(%dma_start3A_27 : memref<128xi32, #tpu.memory_space<vmem>>) semaphore(%run_scoped3A : memref<!tpu.dma_semaphore, #tpu.memory_space<semaphore_mem>>) {add = true}
          %dma_wait3A = arith.constant 0 : i32
          %dma_wait3A_31 = tpu.memref_slice %arg7[%add3A_25, %dma_wait3A] : memref<80x128xi32, #tpu.memory_space<vmem>> -> memref<1x128xi32, #tpu.memory_space<vmem>>
          %dma_wait3A_32 = tpu.memref_squeeze %dma_wait3A_31 : memref<1x128xi32, #tpu.memory_space<vmem>> -> memref<128xi32, #tpu.memory_space<vmem>>
          %dma_wait3A_33 = arith.constant 0 : i32
          %dma_wait3A_34 = arith.constant 0 : i32
          %dma_wait3A_35 = tpu.memref_slice %arg9[%dma_wait3A_33, %dma_wait3A_34] : memref<10240x128xf32, #tpu.memory_space<vmem_shared>> -> memref<10240x128xf32, #tpu.memory_space<vmem_shared>>
          tpu.wait_indirect_dma semaphore(%run_scoped3A : memref<!tpu.dma_semaphore, #tpu.memory_space<semaphore_mem>>) src(%arg8 : memref<128x128xf32, #tpu.memory_space<vmem>>) dst(%dma_wait3A_35 : memref<10240x128xf32, #tpu.memory_space<vmem_shared>>)
          tpu.yield
        }) : () -> ()
      }
      %scan3A_19 = arith.constant 40 : i32
    }
    %scan3A_6 = arith.constant 2 : i32
    %barrier3A_7 = arith.constant 0 : index
    tpu.barrier barrier_id(%barrier3A_7)
    "tpu.region"() ({
      %run_scoped3A = tpu.sem_alloc : memref<!tpu.dma_semaphore, #tpu.memory_space<semaphore_mem>>
      %dma_start3A = arith.constant 0 : i32
      %dma_start3A_8 = arith.constant 0 : i32
      %dma_start3A_9 = tpu.memref_slice %arg5[%arg0, %dma_start3A, %dma_start3A_8] : memref<2x10240x128xf32, #tpu.memory_space<hbm>> -> memref<1x10240x128xf32, #tpu.memory_space<hbm>>
      %dma_start3A_10 = tpu.memref_squeeze %dma_start3A_9 : memref<1x10240x128xf32, #tpu.memory_space<hbm>> -> memref<10240x128xf32, #tpu.memory_space<hbm>>
      %dma_start3A_11 = arith.constant 0 : i32
      %dma_start3A_12 = tpu.memref_slice %dma_start3A_10[%mul3A_2, %dma_start3A_11] : memref<10240x128xf32, #tpu.memory_space<hbm>> -> memref<640x128xf32, #tpu.memory_space<hbm>>
      %dma_start3A_13 = arith.constant 0 : i32
      %dma_start3A_14 = tpu.memref_slice %arg9[%mul3A_2, %dma_start3A_13] : memref<10240x128xf32, #tpu.memory_space<vmem_shared>> -> memref<640x128xf32, #tpu.memory_space<vmem_shared>>
      tpu.enqueue_dma source(%dma_start3A_14 : memref<640x128xf32, #tpu.memory_space<vmem_shared>>) target(%dma_start3A_12 : memref<640x128xf32, #tpu.memory_space<hbm>>) target_semaphore(%run_scoped3A : memref<!tpu.dma_semaphore, #tpu.memory_space<semaphore_mem>>)
      %dma_wait3A = arith.constant 0 : i32
      %dma_wait3A_15 = arith.constant 0 : i32
      %dma_wait3A_16 = tpu.memref_slice %arg5[%arg0, %dma_wait3A, %dma_wait3A_15] : memref<2x10240x128xf32, #tpu.memory_space<hbm>> -> memref<1x10240x128xf32, #tpu.memory_space<hbm>>
      %dma_wait3A_17 = tpu.memref_squeeze %dma_wait3A_16 : memref<1x10240x128xf32, #tpu.memory_space<hbm>> -> memref<10240x128xf32, #tpu.memory_space<hbm>>
      %dma_wait3A_18 = arith.constant 0 : i32
      %dma_wait3A_19 = tpu.memref_slice %dma_wait3A_17[%mul3A_2, %dma_wait3A_18] : memref<10240x128xf32, #tpu.memory_space<hbm>> -> memref<640x128xf32, #tpu.memory_space<hbm>>
      %dma_wait3A_20 = arith.constant 0 : i32
      %dma_wait3A_21 = tpu.memref_slice %arg9[%mul3A_2, %dma_wait3A_20] : memref<10240x128xf32, #tpu.memory_space<vmem_shared>> -> memref<640x128xf32, #tpu.memory_space<vmem_shared>>
      tpu.wait_dma2 semaphore(%run_scoped3A : memref<!tpu.dma_semaphore, #tpu.memory_space<semaphore_mem>>) src(%dma_wait3A_21 : memref<640x128xf32, #tpu.memory_space<vmem_shared>>) dst(%dma_wait3A_19 : memref<640x128xf32, #tpu.memory_space<hbm>>)
      tpu.yield
    }) : () -> ()
    return
  }
}

#map = affine_map<(d0, d1) -> (0, 0)>
#map1 = affine_map<(d0, d1) -> (0, 0, 0, 0)>
#map2 = affine_map<(d0, d1) -> (0, 0, 0)>
module attributes {stable_mosaic.version = 14 : i64} {
  func.func @_edge_pass(%arg0: i32, %arg1: i32, %arg2: memref<10240x128xf32, #tpu.memory_space<hbm>>, %arg3: memref<32x2x40x128xi32, #tpu.memory_space<hbm>>, %arg4: memref<32x80x128xi32, #tpu.memory_space<hbm>>, %arg5: memref<2x10240x128xf32, #tpu.memory_space<hbm>>, %arg6: memref<40x128xi32, #tpu.memory_space<vmem>>, %arg7: memref<80x128xi32, #tpu.memory_space<vmem>>, %arg8: memref<128x128xf32, #tpu.memory_space<vmem>>, %arg9: memref<10240x128xf32, #tpu.memory_space<vmem_shared>>) attributes {dimension_semantics = [#tpu.dimension_semantics<core_parallel>, #tpu.dimension_semantics<subcore_parallel>], iteration_bounds = array<i64: 2, 16>, scalar_prefetch = 0 : i64, scratch_operands = 4 : i64, tpu.core_type = #tpu.core_type<sc_vector_subcore>, window_params = [{transform_indices = #map}, {transform_indices = #map1}, {transform_indices = #map2}, {transform_indices = #map2}]} {
    %mul3A = arith.constant 16 : i32
    %mul3A_0 = arith.muli %arg0, %mul3A : i32
    %add3A = arith.addi %mul3A_0, %arg1 : i32
    "tpu.region"() ({
      %run_scoped3A = tpu.sem_alloc : memref<!tpu.dma_semaphore, #tpu.memory_space<semaphore_mem>>
      %dma_start3A = arith.constant 0 : i32
      %dma_start3A_8 = arith.constant 0 : i32
      %dma_start3A_9 = tpu.memref_slice %arg4[%add3A, %dma_start3A, %dma_start3A_8] : memref<32x80x128xi32, #tpu.memory_space<hbm>> -> memref<1x80x128xi32, #tpu.memory_space<hbm>>
      %dma_start3A_10 = tpu.memref_squeeze %dma_start3A_9 : memref<1x80x128xi32, #tpu.memory_space<hbm>> -> memref<80x128xi32, #tpu.memory_space<hbm>>
      %dma_start3A_11 = arith.constant 0 : i32
      %dma_start3A_12 = arith.constant 0 : i32
      %dma_start3A_13 = tpu.memref_slice %arg4[%add3A, %dma_start3A_11, %dma_start3A_12] : memref<32x80x128xi32, #tpu.memory_space<hbm>> -> memref<1x80x128xi32, #tpu.memory_space<hbm>>
      %dma_start3A_14 = tpu.memref_squeeze %dma_start3A_13 : memref<1x80x128xi32, #tpu.memory_space<hbm>> -> memref<80x128xi32, #tpu.memory_space<hbm>>
      tpu.enqueue_dma source(%dma_start3A_14 : memref<80x128xi32, #tpu.memory_space<hbm>>) target(%arg7 : memref<80x128xi32, #tpu.memory_space<vmem>>) target_semaphore(%run_scoped3A : memref<!tpu.dma_semaphore, #tpu.memory_space<semaphore_mem>>)
      %dma_wait3A = arith.constant 0 : i32
      %dma_wait3A_15 = arith.constant 0 : i32
      %dma_wait3A_16 = tpu.memref_slice %arg4[%add3A, %dma_wait3A, %dma_wait3A_15] : memref<32x80x128xi32, #tpu.memory_space<hbm>> -> memref<1x80x128xi32, #tpu.memory_space<hbm>>
      %dma_wait3A_17 = tpu.memref_squeeze %dma_wait3A_16 : memref<1x80x128xi32, #tpu.memory_space<hbm>> -> memref<80x128xi32, #tpu.memory_space<hbm>>
      %dma_wait3A_18 = arith.constant 0 : i32
      %dma_wait3A_19 = arith.constant 0 : i32
      %dma_wait3A_20 = tpu.memref_slice %arg4[%add3A, %dma_wait3A_18, %dma_wait3A_19] : memref<32x80x128xi32, #tpu.memory_space<hbm>> -> memref<1x80x128xi32, #tpu.memory_space<hbm>>
      %dma_wait3A_21 = tpu.memref_squeeze %dma_wait3A_20 : memref<1x80x128xi32, #tpu.memory_space<hbm>> -> memref<80x128xi32, #tpu.memory_space<hbm>>
      tpu.wait_dma2 semaphore(%run_scoped3A : memref<!tpu.dma_semaphore, #tpu.memory_space<semaphore_mem>>) src(%dma_wait3A_21 : memref<80x128xi32, #tpu.memory_space<hbm>>) dst(%arg7 : memref<80x128xi32, #tpu.memory_space<vmem>>)
      tpu.yield
    }) : () -> ()
    %mul3A_1 = arith.constant 640 : i32
    %mul3A_2 = arith.muli %arg1, %mul3A_1 : i32
    "tpu.region"() ({
      %run_scoped3A = tpu.sem_alloc : memref<!tpu.dma_semaphore, #tpu.memory_space<semaphore_mem>>
      %dma_start3A = arith.constant 0 : i32
      %dma_start3A_8 = tpu.memref_slice %arg9[%mul3A_2, %dma_start3A] : memref<10240x128xf32, #tpu.memory_space<vmem_shared>> -> memref<640x128xf32, #tpu.memory_space<vmem_shared>>
      %dma_start3A_9 = arith.constant 0 : i32
      %dma_start3A_10 = tpu.memref_slice %arg2[%mul3A_2, %dma_start3A_9] : memref<10240x128xf32, #tpu.memory_space<hbm>> -> memref<640x128xf32, #tpu.memory_space<hbm>>
      tpu.enqueue_dma source(%dma_start3A_10 : memref<640x128xf32, #tpu.memory_space<hbm>>) target(%dma_start3A_8 : memref<640x128xf32, #tpu.memory_space<vmem_shared>>) target_semaphore(%run_scoped3A : memref<!tpu.dma_semaphore, #tpu.memory_space<semaphore_mem>>)
      %dma_wait3A = arith.constant 0 : i32
      %dma_wait3A_11 = tpu.memref_slice %arg9[%mul3A_2, %dma_wait3A] : memref<10240x128xf32, #tpu.memory_space<vmem_shared>> -> memref<640x128xf32, #tpu.memory_space<vmem_shared>>
      %dma_wait3A_12 = arith.constant 0 : i32
      %dma_wait3A_13 = tpu.memref_slice %arg2[%mul3A_2, %dma_wait3A_12] : memref<10240x128xf32, #tpu.memory_space<hbm>> -> memref<640x128xf32, #tpu.memory_space<hbm>>
      tpu.wait_dma2 semaphore(%run_scoped3A : memref<!tpu.dma_semaphore, #tpu.memory_space<semaphore_mem>>) src(%dma_wait3A_13 : memref<640x128xf32, #tpu.memory_space<hbm>>) dst(%dma_wait3A_11 : memref<640x128xf32, #tpu.memory_space<vmem_shared>>)
      tpu.yield
    }) : () -> ()
    %barrier3A = arith.constant 0 : index
    tpu.barrier barrier_id(%barrier3A)
    %scan3A = arith.constant 0 : i32
    %scan3A_3 = arith.constant 2 : i32
    %scan3A_4 = arith.addi %scan3A, %scan3A_3 : i32
    %scan3A_5 = arith.constant 1 : i32
    scf.for %scan3A_8 = %scan3A to %scan3A_4 step %scan3A_5  : i32 {
      %mul3A_9 = arith.constant 1 : i32
      %mul3A_10 = arith.muli %scan3A_8, %mul3A_9 : i32
      %add3A_11 = arith.constant 0 : i32
      %add3A_12 = arith.addi %add3A_11, %mul3A_10 : i32
      "tpu.region"() ({
        %run_scoped3A = tpu.sem_alloc : memref<!tpu.dma_semaphore, #tpu.memory_space<semaphore_mem>>
        %dma_start3A = arith.constant 0 : i32
        %dma_start3A_20 = arith.constant 0 : i32
        %dma_start3A_21 = tpu.memref_slice %arg3[%add3A, %add3A_12, %dma_start3A, %dma_start3A_20] : memref<32x2x40x128xi32, #tpu.memory_space<hbm>> -> memref<1x1x40x128xi32, #tpu.memory_space<hbm>>
        %dma_start3A_22 = tpu.memref_squeeze %dma_start3A_21 : memref<1x1x40x128xi32, #tpu.memory_space<hbm>> -> memref<40x128xi32, #tpu.memory_space<hbm>>
        %dma_start3A_23 = arith.constant 0 : i32
        %dma_start3A_24 = arith.constant 0 : i32
        %dma_start3A_25 = tpu.memref_slice %arg3[%add3A, %add3A_12, %dma_start3A_23, %dma_start3A_24] : memref<32x2x40x128xi32, #tpu.memory_space<hbm>> -> memref<1x1x40x128xi32, #tpu.memory_space<hbm>>
        %dma_start3A_26 = tpu.memref_squeeze %dma_start3A_25 : memref<1x1x40x128xi32, #tpu.memory_space<hbm>> -> memref<40x128xi32, #tpu.memory_space<hbm>>
        tpu.enqueue_dma source(%dma_start3A_26 : memref<40x128xi32, #tpu.memory_space<hbm>>) target(%arg6 : memref<40x128xi32, #tpu.memory_space<vmem>>) target_semaphore(%run_scoped3A : memref<!tpu.dma_semaphore, #tpu.memory_space<semaphore_mem>>)
        %dma_wait3A = arith.constant 0 : i32
        %dma_wait3A_27 = arith.constant 0 : i32
        %dma_wait3A_28 = tpu.memref_slice %arg3[%add3A, %add3A_12, %dma_wait3A, %dma_wait3A_27] : memref<32x2x40x128xi32, #tpu.memory_space<hbm>> -> memref<1x1x40x128xi32, #tpu.memory_space<hbm>>
        %dma_wait3A_29 = tpu.memref_squeeze %dma_wait3A_28 : memref<1x1x40x128xi32, #tpu.memory_space<hbm>> -> memref<40x128xi32, #tpu.memory_space<hbm>>
        %dma_wait3A_30 = arith.constant 0 : i32
        %dma_wait3A_31 = arith.constant 0 : i32
        %dma_wait3A_32 = tpu.memref_slice %arg3[%add3A, %add3A_12, %dma_wait3A_30, %dma_wait3A_31] : memref<32x2x40x128xi32, #tpu.memory_space<hbm>> -> memref<1x1x40x128xi32, #tpu.memory_space<hbm>>
        %dma_wait3A_33 = tpu.memref_squeeze %dma_wait3A_32 : memref<1x1x40x128xi32, #tpu.memory_space<hbm>> -> memref<40x128xi32, #tpu.memory_space<hbm>>
        tpu.wait_dma2 semaphore(%run_scoped3A : memref<!tpu.dma_semaphore, #tpu.memory_space<semaphore_mem>>) src(%dma_wait3A_33 : memref<40x128xi32, #tpu.memory_space<hbm>>) dst(%arg6 : memref<40x128xi32, #tpu.memory_space<vmem>>)
        tpu.yield
      }) : () -> ()
      %mul3A_13 = arith.constant 40 : i32
      %mul3A_14 = arith.muli %add3A_12, %mul3A_13 : i32
      %scan3A_15 = arith.constant 0 : i32
      %scan3A_16 = arith.constant 40 : i32
      %scan3A_17 = arith.addi %scan3A_15, %scan3A_16 : i32
      %scan3A_18 = arith.constant 1 : i32
      scf.for %scan3A_20 = %scan3A_15 to %scan3A_17 step %scan3A_18  : i32 {
        %mul3A_21 = arith.constant 1 : i32
        %mul3A_22 = arith.muli %scan3A_20, %mul3A_21 : i32
        %add3A_23 = arith.constant 0 : i32
        %add3A_24 = arith.addi %add3A_23, %mul3A_22 : i32
        "tpu.region"() ({
          %run_scoped3A = tpu.sem_alloc : memref<!tpu.dma_semaphore, #tpu.memory_space<semaphore_mem>>
          %dma_start3A = arith.constant 0 : i32
          %dma_start3A_26 = tpu.memref_slice %arg6[%add3A_24, %dma_start3A] : memref<40x128xi32, #tpu.memory_space<vmem>> -> memref<1x128xi32, #tpu.memory_space<vmem>>
          %dma_start3A_27 = tpu.memref_squeeze %dma_start3A_26 : memref<1x128xi32, #tpu.memory_space<vmem>> -> memref<128xi32, #tpu.memory_space<vmem>>
          %dma_start3A_28 = arith.constant 0 : i32
          %dma_start3A_29 = arith.constant 0 : i32
          %dma_start3A_30 = tpu.memref_slice %arg2[%dma_start3A_28, %dma_start3A_29] : memref<10240x128xf32, #tpu.memory_space<hbm>> -> memref<10240x128xf32, #tpu.memory_space<hbm>>
          tpu.enqueue_indirect_dma source(%dma_start3A_30 : memref<10240x128xf32, #tpu.memory_space<hbm>>) target(%arg8 : memref<128x128xf32, #tpu.memory_space<vmem>>) offsets(%dma_start3A_27 : memref<128xi32, #tpu.memory_space<vmem>>) semaphore(%run_scoped3A : memref<!tpu.dma_semaphore, #tpu.memory_space<semaphore_mem>>)
          %dma_wait3A = arith.constant 0 : i32
          %dma_wait3A_31 = tpu.memref_slice %arg6[%add3A_24, %dma_wait3A] : memref<40x128xi32, #tpu.memory_space<vmem>> -> memref<1x128xi32, #tpu.memory_space<vmem>>
          %dma_wait3A_32 = tpu.memref_squeeze %dma_wait3A_31 : memref<1x128xi32, #tpu.memory_space<vmem>> -> memref<128xi32, #tpu.memory_space<vmem>>
          %dma_wait3A_33 = arith.constant 0 : i32
          %dma_wait3A_34 = arith.constant 0 : i32
          %dma_wait3A_35 = tpu.memref_slice %arg2[%dma_wait3A_33, %dma_wait3A_34] : memref<10240x128xf32, #tpu.memory_space<hbm>> -> memref<10240x128xf32, #tpu.memory_space<hbm>>
          tpu.wait_indirect_dma semaphore(%run_scoped3A : memref<!tpu.dma_semaphore, #tpu.memory_space<semaphore_mem>>) src(%dma_wait3A_35 : memref<10240x128xf32, #tpu.memory_space<hbm>>) dst(%arg8 : memref<128x128xf32, #tpu.memory_space<vmem>>)
          tpu.yield
        }) : () -> ()
        %add3A_25 = arith.addi %mul3A_14, %add3A_24 : i32
        "tpu.region"() ({
          %run_scoped3A = tpu.sem_alloc : memref<!tpu.dma_semaphore, #tpu.memory_space<semaphore_mem>>
          %dma_start3A = arith.constant 0 : i32
          %dma_start3A_26 = tpu.memref_slice %arg7[%add3A_25, %dma_start3A] : memref<80x128xi32, #tpu.memory_space<vmem>> -> memref<1x128xi32, #tpu.memory_space<vmem>>
          %dma_start3A_27 = tpu.memref_squeeze %dma_start3A_26 : memref<1x128xi32, #tpu.memory_space<vmem>> -> memref<128xi32, #tpu.memory_space<vmem>>
          %dma_start3A_28 = arith.constant 0 : i32
          %dma_start3A_29 = arith.constant 0 : i32
          %dma_start3A_30 = tpu.memref_slice %arg9[%dma_start3A_28, %dma_start3A_29] : memref<10240x128xf32, #tpu.memory_space<vmem_shared>> -> memref<10240x128xf32, #tpu.memory_space<vmem_shared>>
          tpu.enqueue_indirect_dma source(%arg8 : memref<128x128xf32, #tpu.memory_space<vmem>>) target(%dma_start3A_30 : memref<10240x128xf32, #tpu.memory_space<vmem_shared>>) offsets(%dma_start3A_27 : memref<128xi32, #tpu.memory_space<vmem>>) semaphore(%run_scoped3A : memref<!tpu.dma_semaphore, #tpu.memory_space<semaphore_mem>>) {add = true}
          %dma_wait3A = arith.constant 0 : i32
          %dma_wait3A_31 = tpu.memref_slice %arg7[%add3A_25, %dma_wait3A] : memref<80x128xi32, #tpu.memory_space<vmem>> -> memref<1x128xi32, #tpu.memory_space<vmem>>
          %dma_wait3A_32 = tpu.memref_squeeze %dma_wait3A_31 : memref<1x128xi32, #tpu.memory_space<vmem>> -> memref<128xi32, #tpu.memory_space<vmem>>
          %dma_wait3A_33 = arith.constant 0 : i32
          %dma_wait3A_34 = arith.constant 0 : i32
          %dma_wait3A_35 = tpu.memref_slice %arg9[%dma_wait3A_33, %dma_wait3A_34] : memref<10240x128xf32, #tpu.memory_space<vmem_shared>> -> memref<10240x128xf32, #tpu.memory_space<vmem_shared>>
          tpu.wait_indirect_dma semaphore(%run_scoped3A : memref<!tpu.dma_semaphore, #tpu.memory_space<semaphore_mem>>) src(%arg8 : memref<128x128xf32, #tpu.memory_space<vmem>>) dst(%dma_wait3A_35 : memref<10240x128xf32, #tpu.memory_space<vmem_shared>>)
          tpu.yield
        }) : () -> ()
      }
      %scan3A_19 = arith.constant 40 : i32
    }
    %scan3A_6 = arith.constant 2 : i32
    %barrier3A_7 = arith.constant 0 : index
    tpu.barrier barrier_id(%barrier3A_7)
    "tpu.region"() ({
      %run_scoped3A = tpu.sem_alloc : memref<!tpu.dma_semaphore, #tpu.memory_space<semaphore_mem>>
      %dma_start3A = arith.constant 0 : i32
      %dma_start3A_8 = arith.constant 0 : i32
      %dma_start3A_9 = tpu.memref_slice %arg5[%arg0, %dma_start3A, %dma_start3A_8] : memref<2x10240x128xf32, #tpu.memory_space<hbm>> -> memref<1x10240x128xf32, #tpu.memory_space<hbm>>
      %dma_start3A_10 = tpu.memref_squeeze %dma_start3A_9 : memref<1x10240x128xf32, #tpu.memory_space<hbm>> -> memref<10240x128xf32, #tpu.memory_space<hbm>>
      %dma_start3A_11 = arith.constant 0 : i32
      %dma_start3A_12 = tpu.memref_slice %dma_start3A_10[%mul3A_2, %dma_start3A_11] : memref<10240x128xf32, #tpu.memory_space<hbm>> -> memref<640x128xf32, #tpu.memory_space<hbm>>
      %dma_start3A_13 = arith.constant 0 : i32
      %dma_start3A_14 = tpu.memref_slice %arg9[%mul3A_2, %dma_start3A_13] : memref<10240x128xf32, #tpu.memory_space<vmem_shared>> -> memref<640x128xf32, #tpu.memory_space<vmem_shared>>
      tpu.enqueue_dma source(%dma_start3A_14 : memref<640x128xf32, #tpu.memory_space<vmem_shared>>) target(%dma_start3A_12 : memref<640x128xf32, #tpu.memory_space<hbm>>) target_semaphore(%run_scoped3A : memref<!tpu.dma_semaphore, #tpu.memory_space<semaphore_mem>>)
      %dma_wait3A = arith.constant 0 : i32
      %dma_wait3A_15 = arith.constant 0 : i32
      %dma_wait3A_16 = tpu.memref_slice %arg5[%arg0, %dma_wait3A, %dma_wait3A_15] : memref<2x10240x128xf32, #tpu.memory_space<hbm>> -> memref<1x10240x128xf32, #tpu.memory_space<hbm>>
      %dma_wait3A_17 = tpu.memref_squeeze %dma_wait3A_16 : memref<1x10240x128xf32, #tpu.memory_space<hbm>> -> memref<10240x128xf32, #tpu.memory_space<hbm>>
      %dma_wait3A_18 = arith.constant 0 : i32
      %dma_wait3A_19 = tpu.memref_slice %dma_wait3A_17[%mul3A_2, %dma_wait3A_18] : memref<10240x128xf32, #tpu.memory_space<hbm>> -> memref<640x128xf32, #tpu.memory_space<hbm>>
      %dma_wait3A_20 = arith.constant 0 : i32
      %dma_wait3A_21 = tpu.memref_slice %arg9[%mul3A_2, %dma_wait3A_20] : memref<10240x128xf32, #tpu.memory_space<vmem_shared>> -> memref<640x128xf32, #tpu.memory_space<vmem_shared>>
      tpu.wait_dma2 semaphore(%run_scoped3A : memref<!tpu.dma_semaphore, #tpu.memory_space<semaphore_mem>>) src(%dma_wait3A_21 : memref<640x128xf32, #tpu.memory_space<vmem_shared>>) dst(%dma_wait3A_19 : memref<640x128xf32, #tpu.memory_space<hbm>>)
      tpu.yield
    }) : () -> ()
    return
  }
}

#map = affine_map<(d0, d1) -> (0, 0)>
#map1 = affine_map<(d0, d1) -> (0, 0, 0)>
module attributes {stable_mosaic.version = 14 : i64} {
  func.func @_deg_pass(%arg0: i32, %arg1: i32, %arg2: memref<10240x128xf32, #tpu.memory_space<hbm>>, %arg3: memref<32x80x128xi32, #tpu.memory_space<hbm>>, %arg4: memref<2x10240x128xf32, #tpu.memory_space<hbm>>, %arg5: memref<80x128xi32, #tpu.memory_space<vmem>>, %arg6: memref<128x128xf32, #tpu.memory_space<vmem>>, %arg7: memref<10240x128xf32, #tpu.memory_space<vmem_shared>>) attributes {dimension_semantics = [#tpu.dimension_semantics<core_parallel>, #tpu.dimension_semantics<subcore_parallel>], iteration_bounds = array<i64: 2, 16>, scalar_prefetch = 0 : i64, scratch_operands = 3 : i64, tpu.core_type = #tpu.core_type<sc_vector_subcore>, window_params = [{transform_indices = #map}, {transform_indices = #map1}, {transform_indices = #map1}]} {
    %mul3A = arith.constant 16 : i32
    %mul3A_0 = arith.muli %arg0, %mul3A : i32
    %add3A = arith.addi %mul3A_0, %arg1 : i32
    "tpu.region"() ({
      %run_scoped3A = tpu.sem_alloc : memref<!tpu.dma_semaphore, #tpu.memory_space<semaphore_mem>>
      %dma_start3A = arith.constant 0 : i32
      %dma_start3A_8 = arith.constant 0 : i32
      %dma_start3A_9 = tpu.memref_slice %arg3[%add3A, %dma_start3A, %dma_start3A_8] : memref<32x80x128xi32, #tpu.memory_space<hbm>> -> memref<1x80x128xi32, #tpu.memory_space<hbm>>
      %dma_start3A_10 = tpu.memref_squeeze %dma_start3A_9 : memref<1x80x128xi32, #tpu.memory_space<hbm>> -> memref<80x128xi32, #tpu.memory_space<hbm>>
      %dma_start3A_11 = arith.constant 0 : i32
      %dma_start3A_12 = arith.constant 0 : i32
      %dma_start3A_13 = tpu.memref_slice %arg3[%add3A, %dma_start3A_11, %dma_start3A_12] : memref<32x80x128xi32, #tpu.memory_space<hbm>> -> memref<1x80x128xi32, #tpu.memory_space<hbm>>
      %dma_start3A_14 = tpu.memref_squeeze %dma_start3A_13 : memref<1x80x128xi32, #tpu.memory_space<hbm>> -> memref<80x128xi32, #tpu.memory_space<hbm>>
      tpu.enqueue_dma source(%dma_start3A_14 : memref<80x128xi32, #tpu.memory_space<hbm>>) target(%arg5 : memref<80x128xi32, #tpu.memory_space<vmem>>) target_semaphore(%run_scoped3A : memref<!tpu.dma_semaphore, #tpu.memory_space<semaphore_mem>>)
      %dma_wait3A = arith.constant 0 : i32
      %dma_wait3A_15 = arith.constant 0 : i32
      %dma_wait3A_16 = tpu.memref_slice %arg3[%add3A, %dma_wait3A, %dma_wait3A_15] : memref<32x80x128xi32, #tpu.memory_space<hbm>> -> memref<1x80x128xi32, #tpu.memory_space<hbm>>
      %dma_wait3A_17 = tpu.memref_squeeze %dma_wait3A_16 : memref<1x80x128xi32, #tpu.memory_space<hbm>> -> memref<80x128xi32, #tpu.memory_space<hbm>>
      %dma_wait3A_18 = arith.constant 0 : i32
      %dma_wait3A_19 = arith.constant 0 : i32
      %dma_wait3A_20 = tpu.memref_slice %arg3[%add3A, %dma_wait3A_18, %dma_wait3A_19] : memref<32x80x128xi32, #tpu.memory_space<hbm>> -> memref<1x80x128xi32, #tpu.memory_space<hbm>>
      %dma_wait3A_21 = tpu.memref_squeeze %dma_wait3A_20 : memref<1x80x128xi32, #tpu.memory_space<hbm>> -> memref<80x128xi32, #tpu.memory_space<hbm>>
      tpu.wait_dma2 semaphore(%run_scoped3A : memref<!tpu.dma_semaphore, #tpu.memory_space<semaphore_mem>>) src(%dma_wait3A_21 : memref<80x128xi32, #tpu.memory_space<hbm>>) dst(%arg5 : memref<80x128xi32, #tpu.memory_space<vmem>>)
      tpu.yield
    }) : () -> ()
    "tpu.region"() ({
      %run_scoped3A = tpu.sem_alloc : memref<!tpu.dma_semaphore, #tpu.memory_space<semaphore_mem>>
      %dma_start3A = arith.constant 0 : i32
      %dma_start3A_8 = arith.constant 0 : i32
      %dma_start3A_9 = tpu.memref_slice %arg2[%dma_start3A, %dma_start3A_8] : memref<10240x128xf32, #tpu.memory_space<hbm>> -> memref<128x128xf32, #tpu.memory_space<hbm>>
      %dma_start3A_10 = arith.constant 0 : i32
      %dma_start3A_11 = arith.constant 0 : i32
      %dma_start3A_12 = tpu.memref_slice %arg2[%dma_start3A_10, %dma_start3A_11] : memref<10240x128xf32, #tpu.memory_space<hbm>> -> memref<128x128xf32, #tpu.memory_space<hbm>>
      tpu.enqueue_dma source(%dma_start3A_12 : memref<128x128xf32, #tpu.memory_space<hbm>>) target(%arg6 : memref<128x128xf32, #tpu.memory_space<vmem>>) target_semaphore(%run_scoped3A : memref<!tpu.dma_semaphore, #tpu.memory_space<semaphore_mem>>)
      %dma_wait3A = arith.constant 0 : i32
      %dma_wait3A_13 = arith.constant 0 : i32
      %dma_wait3A_14 = tpu.memref_slice %arg2[%dma_wait3A, %dma_wait3A_13] : memref<10240x128xf32, #tpu.memory_space<hbm>> -> memref<128x128xf32, #tpu.memory_space<hbm>>
      %dma_wait3A_15 = arith.constant 0 : i32
      %dma_wait3A_16 = arith.constant 0 : i32
      %dma_wait3A_17 = tpu.memref_slice %arg2[%dma_wait3A_15, %dma_wait3A_16] : memref<10240x128xf32, #tpu.memory_space<hbm>> -> memref<128x128xf32, #tpu.memory_space<hbm>>
      tpu.wait_dma2 semaphore(%run_scoped3A : memref<!tpu.dma_semaphore, #tpu.memory_space<semaphore_mem>>) src(%dma_wait3A_17 : memref<128x128xf32, #tpu.memory_space<hbm>>) dst(%arg6 : memref<128x128xf32, #tpu.memory_space<vmem>>)
      tpu.yield
    }) : () -> ()
    %mul3A_1 = arith.constant 640 : i32
    %mul3A_2 = arith.muli %arg1, %mul3A_1 : i32
    "tpu.region"() ({
      %run_scoped3A = tpu.sem_alloc : memref<!tpu.dma_semaphore, #tpu.memory_space<semaphore_mem>>
      %dma_start3A = arith.constant 0 : i32
      %dma_start3A_8 = tpu.memref_slice %arg7[%mul3A_2, %dma_start3A] : memref<10240x128xf32, #tpu.memory_space<vmem_shared>> -> memref<640x128xf32, #tpu.memory_space<vmem_shared>>
      %dma_start3A_9 = arith.constant 0 : i32
      %dma_start3A_10 = tpu.memref_slice %arg2[%mul3A_2, %dma_start3A_9] : memref<10240x128xf32, #tpu.memory_space<hbm>> -> memref<640x128xf32, #tpu.memory_space<hbm>>
      tpu.enqueue_dma source(%dma_start3A_10 : memref<640x128xf32, #tpu.memory_space<hbm>>) target(%dma_start3A_8 : memref<640x128xf32, #tpu.memory_space<vmem_shared>>) target_semaphore(%run_scoped3A : memref<!tpu.dma_semaphore, #tpu.memory_space<semaphore_mem>>)
      %dma_wait3A = arith.constant 0 : i32
      %dma_wait3A_11 = tpu.memref_slice %arg7[%mul3A_2, %dma_wait3A] : memref<10240x128xf32, #tpu.memory_space<vmem_shared>> -> memref<640x128xf32, #tpu.memory_space<vmem_shared>>
      %dma_wait3A_12 = arith.constant 0 : i32
      %dma_wait3A_13 = tpu.memref_slice %arg2[%mul3A_2, %dma_wait3A_12] : memref<10240x128xf32, #tpu.memory_space<hbm>> -> memref<640x128xf32, #tpu.memory_space<hbm>>
      tpu.wait_dma2 semaphore(%run_scoped3A : memref<!tpu.dma_semaphore, #tpu.memory_space<semaphore_mem>>) src(%dma_wait3A_13 : memref<640x128xf32, #tpu.memory_space<hbm>>) dst(%dma_wait3A_11 : memref<640x128xf32, #tpu.memory_space<vmem_shared>>)
      tpu.yield
    }) : () -> ()
    %barrier3A = arith.constant 0 : index
    tpu.barrier barrier_id(%barrier3A)
    %scan3A = arith.constant 0 : i32
    %scan3A_3 = arith.constant 80 : i32
    %scan3A_4 = arith.addi %scan3A, %scan3A_3 : i32
    %scan3A_5 = arith.constant 1 : i32
    scf.for %scan3A_8 = %scan3A to %scan3A_4 step %scan3A_5  : i32 {
      %mul3A_9 = arith.constant 1 : i32
      %mul3A_10 = arith.muli %scan3A_8, %mul3A_9 : i32
      %add3A_11 = arith.constant 0 : i32
      %add3A_12 = arith.addi %add3A_11, %mul3A_10 : i32
      "tpu.region"() ({
        %run_scoped3A = tpu.sem_alloc : memref<!tpu.dma_semaphore, #tpu.memory_space<semaphore_mem>>
        %dma_start3A = arith.constant 0 : i32
        %dma_start3A_13 = tpu.memref_slice %arg5[%add3A_12, %dma_start3A] : memref<80x128xi32, #tpu.memory_space<vmem>> -> memref<1x128xi32, #tpu.memory_space<vmem>>
        %dma_start3A_14 = tpu.memref_squeeze %dma_start3A_13 : memref<1x128xi32, #tpu.memory_space<vmem>> -> memref<128xi32, #tpu.memory_space<vmem>>
        %dma_start3A_15 = arith.constant 0 : i32
        %dma_start3A_16 = arith.constant 0 : i32
        %dma_start3A_17 = tpu.memref_slice %arg7[%dma_start3A_15, %dma_start3A_16] : memref<10240x128xf32, #tpu.memory_space<vmem_shared>> -> memref<10240x128xf32, #tpu.memory_space<vmem_shared>>
        tpu.enqueue_indirect_dma source(%arg6 : memref<128x128xf32, #tpu.memory_space<vmem>>) target(%dma_start3A_17 : memref<10240x128xf32, #tpu.memory_space<vmem_shared>>) offsets(%dma_start3A_14 : memref<128xi32, #tpu.memory_space<vmem>>) semaphore(%run_scoped3A : memref<!tpu.dma_semaphore, #tpu.memory_space<semaphore_mem>>) {add = true}
        %dma_wait3A = arith.constant 0 : i32
        %dma_wait3A_18 = tpu.memref_slice %arg5[%add3A_12, %dma_wait3A] : memref<80x128xi32, #tpu.memory_space<vmem>> -> memref<1x128xi32, #tpu.memory_space<vmem>>
        %dma_wait3A_19 = tpu.memref_squeeze %dma_wait3A_18 : memref<1x128xi32, #tpu.memory_space<vmem>> -> memref<128xi32, #tpu.memory_space<vmem>>
        %dma_wait3A_20 = arith.constant 0 : i32
        %dma_wait3A_21 = arith.constant 0 : i32
        %dma_wait3A_22 = tpu.memref_slice %arg7[%dma_wait3A_20, %dma_wait3A_21] : memref<10240x128xf32, #tpu.memory_space<vmem_shared>> -> memref<10240x128xf32, #tpu.memory_space<vmem_shared>>
        tpu.wait_indirect_dma semaphore(%run_scoped3A : memref<!tpu.dma_semaphore, #tpu.memory_space<semaphore_mem>>) src(%arg6 : memref<128x128xf32, #tpu.memory_space<vmem>>) dst(%dma_wait3A_22 : memref<10240x128xf32, #tpu.memory_space<vmem_shared>>)
        tpu.yield
      }) : () -> ()
    }
    %scan3A_6 = arith.constant 80 : i32
    %barrier3A_7 = arith.constant 0 : index
    tpu.barrier barrier_id(%barrier3A_7)
    "tpu.region"() ({
      %run_scoped3A = tpu.sem_alloc : memref<!tpu.dma_semaphore, #tpu.memory_space<semaphore_mem>>
      %dma_start3A = arith.constant 0 : i32
      %dma_start3A_8 = arith.constant 0 : i32
      %dma_start3A_9 = tpu.memref_slice %arg4[%arg0, %dma_start3A, %dma_start3A_8] : memref<2x10240x128xf32, #tpu.memory_space<hbm>> -> memref<1x10240x128xf32, #tpu.memory_space<hbm>>
      %dma_start3A_10 = tpu.memref_squeeze %dma_start3A_9 : memref<1x10240x128xf32, #tpu.memory_space<hbm>> -> memref<10240x128xf32, #tpu.memory_space<hbm>>
      %dma_start3A_11 = arith.constant 0 : i32
      %dma_start3A_12 = tpu.memref_slice %dma_start3A_10[%mul3A_2, %dma_start3A_11] : memref<10240x128xf32, #tpu.memory_space<hbm>> -> memref<640x128xf32, #tpu.memory_space<hbm>>
      %dma_start3A_13 = arith.constant 0 : i32
      %dma_start3A_14 = tpu.memref_slice %arg7[%mul3A_2, %dma_start3A_13] : memref<10240x128xf32, #tpu.memory_space<vmem_shared>> -> memref<640x128xf32, #tpu.memory_space<vmem_shared>>
      tpu.enqueue_dma source(%dma_start3A_14 : memref<640x128xf32, #tpu.memory_space<vmem_shared>>) target(%dma_start3A_12 : memref<640x128xf32, #tpu.memory_space<hbm>>) target_semaphore(%run_scoped3A : memref<!tpu.dma_semaphore, #tpu.memory_space<semaphore_mem>>)
      %dma_wait3A = arith.constant 0 : i32
      %dma_wait3A_15 = arith.constant 0 : i32
      %dma_wait3A_16 = tpu.memref_slice %arg4[%arg0, %dma_wait3A, %dma_wait3A_15] : memref<2x10240x128xf32, #tpu.memory_space<hbm>> -> memref<1x10240x128xf32, #tpu.memory_space<hbm>>
      %dma_wait3A_17 = tpu.memref_squeeze %dma_wait3A_16 : memref<1x10240x128xf32, #tpu.memory_space<hbm>> -> memref<10240x128xf32, #tpu.memory_space<hbm>>
      %dma_wait3A_18 = arith.constant 0 : i32
      %dma_wait3A_19 = tpu.memref_slice %dma_wait3A_17[%mul3A_2, %dma_wait3A_18] : memref<10240x128xf32, #tpu.memory_space<hbm>> -> memref<640x128xf32, #tpu.memory_space<hbm>>
      %dma_wait3A_20 = arith.constant 0 : i32
      %dma_wait3A_21 = tpu.memref_slice %arg7[%mul3A_2, %dma_wait3A_20] : memref<10240x128xf32, #tpu.memory_space<vmem_shared>> -> memref<640x128xf32, #tpu.memory_space<vmem_shared>>
      tpu.wait_dma2 semaphore(%run_scoped3A : memref<!tpu.dma_semaphore, #tpu.memory_space<semaphore_mem>>) src(%dma_wait3A_21 : memref<640x128xf32, #tpu.memory_space<vmem_shared>>) dst(%dma_wait3A_19 : memref<640x128xf32, #tpu.memory_space<hbm>>)
      tpu.yield
    }) : () -> ()
    return
  }
}

#map = affine_map<(d0, d1) -> (0, 0)>
#map1 = affine_map<(d0, d1) -> (0, 0, 0, 0)>
#map2 = affine_map<(d0, d1) -> (0, 0, 0)>
module attributes {stable_mosaic.version = 14 : i64} {
  func.func @_edge_pass(%arg0: i32, %arg1: i32, %arg2: memref<10240x128xf32, #tpu.memory_space<hbm>>, %arg3: memref<32x2x40x128xi32, #tpu.memory_space<hbm>>, %arg4: memref<32x80x128xi32, #tpu.memory_space<hbm>>, %arg5: memref<2x10240x128xf32, #tpu.memory_space<hbm>>, %arg6: memref<40x128xi32, #tpu.memory_space<vmem>>, %arg7: memref<80x128xi32, #tpu.memory_space<vmem>>, %arg8: memref<128x128xf32, #tpu.memory_space<vmem>>, %arg9: memref<10240x128xf32, #tpu.memory_space<vmem_shared>>) attributes {dimension_semantics = [#tpu.dimension_semantics<core_parallel>, #tpu.dimension_semantics<subcore_parallel>], iteration_bounds = array<i64: 2, 16>, scalar_prefetch = 0 : i64, scratch_operands = 4 : i64, tpu.core_type = #tpu.core_type<sc_vector_subcore>, window_params = [{transform_indices = #map}, {transform_indices = #map1}, {transform_indices = #map2}, {transform_indices = #map2}]} {
    %mul3A = arith.constant 16 : i32
    %mul3A_0 = arith.muli %arg0, %mul3A : i32
    %add3A = arith.addi %mul3A_0, %arg1 : i32
    "tpu.region"() ({
      %run_scoped3A = tpu.sem_alloc : memref<!tpu.dma_semaphore, #tpu.memory_space<semaphore_mem>>
      %dma_start3A = arith.constant 0 : i32
      %dma_start3A_8 = arith.constant 0 : i32
      %dma_start3A_9 = tpu.memref_slice %arg4[%add3A, %dma_start3A, %dma_start3A_8] : memref<32x80x128xi32, #tpu.memory_space<hbm>> -> memref<1x80x128xi32, #tpu.memory_space<hbm>>
      %dma_start3A_10 = tpu.memref_squeeze %dma_start3A_9 : memref<1x80x128xi32, #tpu.memory_space<hbm>> -> memref<80x128xi32, #tpu.memory_space<hbm>>
      %dma_start3A_11 = arith.constant 0 : i32
      %dma_start3A_12 = arith.constant 0 : i32
      %dma_start3A_13 = tpu.memref_slice %arg4[%add3A, %dma_start3A_11, %dma_start3A_12] : memref<32x80x128xi32, #tpu.memory_space<hbm>> -> memref<1x80x128xi32, #tpu.memory_space<hbm>>
      %dma_start3A_14 = tpu.memref_squeeze %dma_start3A_13 : memref<1x80x128xi32, #tpu.memory_space<hbm>> -> memref<80x128xi32, #tpu.memory_space<hbm>>
      tpu.enqueue_dma source(%dma_start3A_14 : memref<80x128xi32, #tpu.memory_space<hbm>>) target(%arg7 : memref<80x128xi32, #tpu.memory_space<vmem>>) target_semaphore(%run_scoped3A : memref<!tpu.dma_semaphore, #tpu.memory_space<semaphore_mem>>)
      %dma_wait3A = arith.constant 0 : i32
      %dma_wait3A_15 = arith.constant 0 : i32
      %dma_wait3A_16 = tpu.memref_slice %arg4[%add3A, %dma_wait3A, %dma_wait3A_15] : memref<32x80x128xi32, #tpu.memory_space<hbm>> -> memref<1x80x128xi32, #tpu.memory_space<hbm>>
      %dma_wait3A_17 = tpu.memref_squeeze %dma_wait3A_16 : memref<1x80x128xi32, #tpu.memory_space<hbm>> -> memref<80x128xi32, #tpu.memory_space<hbm>>
      %dma_wait3A_18 = arith.constant 0 : i32
      %dma_wait3A_19 = arith.constant 0 : i32
      %dma_wait3A_20 = tpu.memref_slice %arg4[%add3A, %dma_wait3A_18, %dma_wait3A_19] : memref<32x80x128xi32, #tpu.memory_space<hbm>> -> memref<1x80x128xi32, #tpu.memory_space<hbm>>
      %dma_wait3A_21 = tpu.memref_squeeze %dma_wait3A_20 : memref<1x80x128xi32, #tpu.memory_space<hbm>> -> memref<80x128xi32, #tpu.memory_space<hbm>>
      tpu.wait_dma2 semaphore(%run_scoped3A : memref<!tpu.dma_semaphore, #tpu.memory_space<semaphore_mem>>) src(%dma_wait3A_21 : memref<80x128xi32, #tpu.memory_space<hbm>>) dst(%arg7 : memref<80x128xi32, #tpu.memory_space<vmem>>)
      tpu.yield
    }) : () -> ()
    %mul3A_1 = arith.constant 640 : i32
    %mul3A_2 = arith.muli %arg1, %mul3A_1 : i32
    "tpu.region"() ({
      %run_scoped3A = tpu.sem_alloc : memref<!tpu.dma_semaphore, #tpu.memory_space<semaphore_mem>>
      %dma_start3A = arith.constant 0 : i32
      %dma_start3A_8 = tpu.memref_slice %arg9[%mul3A_2, %dma_start3A] : memref<10240x128xf32, #tpu.memory_space<vmem_shared>> -> memref<640x128xf32, #tpu.memory_space<vmem_shared>>
      %dma_start3A_9 = arith.constant 0 : i32
      %dma_start3A_10 = tpu.memref_slice %arg2[%mul3A_2, %dma_start3A_9] : memref<10240x128xf32, #tpu.memory_space<hbm>> -> memref<640x128xf32, #tpu.memory_space<hbm>>
      tpu.enqueue_dma source(%dma_start3A_10 : memref<640x128xf32, #tpu.memory_space<hbm>>) target(%dma_start3A_8 : memref<640x128xf32, #tpu.memory_space<vmem_shared>>) target_semaphore(%run_scoped3A : memref<!tpu.dma_semaphore, #tpu.memory_space<semaphore_mem>>)
      %dma_wait3A = arith.constant 0 : i32
      %dma_wait3A_11 = tpu.memref_slice %arg9[%mul3A_2, %dma_wait3A] : memref<10240x128xf32, #tpu.memory_space<vmem_shared>> -> memref<640x128xf32, #tpu.memory_space<vmem_shared>>
      %dma_wait3A_12 = arith.constant 0 : i32
      %dma_wait3A_13 = tpu.memref_slice %arg2[%mul3A_2, %dma_wait3A_12] : memref<10240x128xf32, #tpu.memory_space<hbm>> -> memref<640x128xf32, #tpu.memory_space<hbm>>
      tpu.wait_dma2 semaphore(%run_scoped3A : memref<!tpu.dma_semaphore, #tpu.memory_space<semaphore_mem>>) src(%dma_wait3A_13 : memref<640x128xf32, #tpu.memory_space<hbm>>) dst(%dma_wait3A_11 : memref<640x128xf32, #tpu.memory_space<vmem_shared>>)
      tpu.yield
    }) : () -> ()
    %barrier3A = arith.constant 0 : index
    tpu.barrier barrier_id(%barrier3A)
    %scan3A = arith.constant 0 : i32
    %scan3A_3 = arith.constant 2 : i32
    %scan3A_4 = arith.addi %scan3A, %scan3A_3 : i32
    %scan3A_5 = arith.constant 1 : i32
    scf.for %scan3A_8 = %scan3A to %scan3A_4 step %scan3A_5  : i32 {
      %mul3A_9 = arith.constant 1 : i32
      %mul3A_10 = arith.muli %scan3A_8, %mul3A_9 : i32
      %add3A_11 = arith.constant 0 : i32
      %add3A_12 = arith.addi %add3A_11, %mul3A_10 : i32
      "tpu.region"() ({
        %run_scoped3A = tpu.sem_alloc : memref<!tpu.dma_semaphore, #tpu.memory_space<semaphore_mem>>
        %dma_start3A = arith.constant 0 : i32
        %dma_start3A_20 = arith.constant 0 : i32
        %dma_start3A_21 = tpu.memref_slice %arg3[%add3A, %add3A_12, %dma_start3A, %dma_start3A_20] : memref<32x2x40x128xi32, #tpu.memory_space<hbm>> -> memref<1x1x40x128xi32, #tpu.memory_space<hbm>>
        %dma_start3A_22 = tpu.memref_squeeze %dma_start3A_21 : memref<1x1x40x128xi32, #tpu.memory_space<hbm>> -> memref<40x128xi32, #tpu.memory_space<hbm>>
        %dma_start3A_23 = arith.constant 0 : i32
        %dma_start3A_24 = arith.constant 0 : i32
        %dma_start3A_25 = tpu.memref_slice %arg3[%add3A, %add3A_12, %dma_start3A_23, %dma_start3A_24] : memref<32x2x40x128xi32, #tpu.memory_space<hbm>> -> memref<1x1x40x128xi32, #tpu.memory_space<hbm>>
        %dma_start3A_26 = tpu.memref_squeeze %dma_start3A_25 : memref<1x1x40x128xi32, #tpu.memory_space<hbm>> -> memref<40x128xi32, #tpu.memory_space<hbm>>
        tpu.enqueue_dma source(%dma_start3A_26 : memref<40x128xi32, #tpu.memory_space<hbm>>) target(%arg6 : memref<40x128xi32, #tpu.memory_space<vmem>>) target_semaphore(%run_scoped3A : memref<!tpu.dma_semaphore, #tpu.memory_space<semaphore_mem>>)
        %dma_wait3A = arith.constant 0 : i32
        %dma_wait3A_27 = arith.constant 0 : i32
        %dma_wait3A_28 = tpu.memref_slice %arg3[%add3A, %add3A_12, %dma_wait3A, %dma_wait3A_27] : memref<32x2x40x128xi32, #tpu.memory_space<hbm>> -> memref<1x1x40x128xi32, #tpu.memory_space<hbm>>
        %dma_wait3A_29 = tpu.memref_squeeze %dma_wait3A_28 : memref<1x1x40x128xi32, #tpu.memory_space<hbm>> -> memref<40x128xi32, #tpu.memory_space<hbm>>
        %dma_wait3A_30 = arith.constant 0 : i32
        %dma_wait3A_31 = arith.constant 0 : i32
        %dma_wait3A_32 = tpu.memref_slice %arg3[%add3A, %add3A_12, %dma_wait3A_30, %dma_wait3A_31] : memref<32x2x40x128xi32, #tpu.memory_space<hbm>> -> memref<1x1x40x128xi32, #tpu.memory_space<hbm>>
        %dma_wait3A_33 = tpu.memref_squeeze %dma_wait3A_32 : memref<1x1x40x128xi32, #tpu.memory_space<hbm>> -> memref<40x128xi32, #tpu.memory_space<hbm>>
        tpu.wait_dma2 semaphore(%run_scoped3A : memref<!tpu.dma_semaphore, #tpu.memory_space<semaphore_mem>>) src(%dma_wait3A_33 : memref<40x128xi32, #tpu.memory_space<hbm>>) dst(%arg6 : memref<40x128xi32, #tpu.memory_space<vmem>>)
        tpu.yield
      }) : () -> ()
      %mul3A_13 = arith.constant 40 : i32
      %mul3A_14 = arith.muli %add3A_12, %mul3A_13 : i32
      %scan3A_15 = arith.constant 0 : i32
      %scan3A_16 = arith.constant 40 : i32
      %scan3A_17 = arith.addi %scan3A_15, %scan3A_16 : i32
      %scan3A_18 = arith.constant 1 : i32
      scf.for %scan3A_20 = %scan3A_15 to %scan3A_17 step %scan3A_18  : i32 {
        %mul3A_21 = arith.constant 1 : i32
        %mul3A_22 = arith.muli %scan3A_20, %mul3A_21 : i32
        %add3A_23 = arith.constant 0 : i32
        %add3A_24 = arith.addi %add3A_23, %mul3A_22 : i32
        "tpu.region"() ({
          %run_scoped3A = tpu.sem_alloc : memref<!tpu.dma_semaphore, #tpu.memory_space<semaphore_mem>>
          %dma_start3A = arith.constant 0 : i32
          %dma_start3A_26 = tpu.memref_slice %arg6[%add3A_24, %dma_start3A] : memref<40x128xi32, #tpu.memory_space<vmem>> -> memref<1x128xi32, #tpu.memory_space<vmem>>
          %dma_start3A_27 = tpu.memref_squeeze %dma_start3A_26 : memref<1x128xi32, #tpu.memory_space<vmem>> -> memref<128xi32, #tpu.memory_space<vmem>>
          %dma_start3A_28 = arith.constant 0 : i32
          %dma_start3A_29 = arith.constant 0 : i32
          %dma_start3A_30 = tpu.memref_slice %arg2[%dma_start3A_28, %dma_start3A_29] : memref<10240x128xf32, #tpu.memory_space<hbm>> -> memref<10240x128xf32, #tpu.memory_space<hbm>>
          tpu.enqueue_indirect_dma source(%dma_start3A_30 : memref<10240x128xf32, #tpu.memory_space<hbm>>) target(%arg8 : memref<128x128xf32, #tpu.memory_space<vmem>>) offsets(%dma_start3A_27 : memref<128xi32, #tpu.memory_space<vmem>>) semaphore(%run_scoped3A : memref<!tpu.dma_semaphore, #tpu.memory_space<semaphore_mem>>)
          %dma_wait3A = arith.constant 0 : i32
          %dma_wait3A_31 = tpu.memref_slice %arg6[%add3A_24, %dma_wait3A] : memref<40x128xi32, #tpu.memory_space<vmem>> -> memref<1x128xi32, #tpu.memory_space<vmem>>
          %dma_wait3A_32 = tpu.memref_squeeze %dma_wait3A_31 : memref<1x128xi32, #tpu.memory_space<vmem>> -> memref<128xi32, #tpu.memory_space<vmem>>
          %dma_wait3A_33 = arith.constant 0 : i32
          %dma_wait3A_34 = arith.constant 0 : i32
          %dma_wait3A_35 = tpu.memref_slice %arg2[%dma_wait3A_33, %dma_wait3A_34] : memref<10240x128xf32, #tpu.memory_space<hbm>> -> memref<10240x128xf32, #tpu.memory_space<hbm>>
          tpu.wait_indirect_dma semaphore(%run_scoped3A : memref<!tpu.dma_semaphore, #tpu.memory_space<semaphore_mem>>) src(%dma_wait3A_35 : memref<10240x128xf32, #tpu.memory_space<hbm>>) dst(%arg8 : memref<128x128xf32, #tpu.memory_space<vmem>>)
          tpu.yield
        }) : () -> ()
        %add3A_25 = arith.addi %mul3A_14, %add3A_24 : i32
        "tpu.region"() ({
          %run_scoped3A = tpu.sem_alloc : memref<!tpu.dma_semaphore, #tpu.memory_space<semaphore_mem>>
          %dma_start3A = arith.constant 0 : i32
          %dma_start3A_26 = tpu.memref_slice %arg7[%add3A_25, %dma_start3A] : memref<80x128xi32, #tpu.memory_space<vmem>> -> memref<1x128xi32, #tpu.memory_space<vmem>>
          %dma_start3A_27 = tpu.memref_squeeze %dma_start3A_26 : memref<1x128xi32, #tpu.memory_space<vmem>> -> memref<128xi32, #tpu.memory_space<vmem>>
          %dma_start3A_28 = arith.constant 0 : i32
          %dma_start3A_29 = arith.constant 0 : i32
          %dma_start3A_30 = tpu.memref_slice %arg9[%dma_start3A_28, %dma_start3A_29] : memref<10240x128xf32, #tpu.memory_space<vmem_shared>> -> memref<10240x128xf32, #tpu.memory_space<vmem_shared>>
          tpu.enqueue_indirect_dma source(%arg8 : memref<128x128xf32, #tpu.memory_space<vmem>>) target(%dma_start3A_30 : memref<10240x128xf32, #tpu.memory_space<vmem_shared>>) offsets(%dma_start3A_27 : memref<128xi32, #tpu.memory_space<vmem>>) semaphore(%run_scoped3A : memref<!tpu.dma_semaphore, #tpu.memory_space<semaphore_mem>>) {add = true}
          %dma_wait3A = arith.constant 0 : i32
          %dma_wait3A_31 = tpu.memref_slice %arg7[%add3A_25, %dma_wait3A] : memref<80x128xi32, #tpu.memory_space<vmem>> -> memref<1x128xi32, #tpu.memory_space<vmem>>
          %dma_wait3A_32 = tpu.memref_squeeze %dma_wait3A_31 : memref<1x128xi32, #tpu.memory_space<vmem>> -> memref<128xi32, #tpu.memory_space<vmem>>
          %dma_wait3A_33 = arith.constant 0 : i32
          %dma_wait3A_34 = arith.constant 0 : i32
          %dma_wait3A_35 = tpu.memref_slice %arg9[%dma_wait3A_33, %dma_wait3A_34] : memref<10240x128xf32, #tpu.memory_space<vmem_shared>> -> memref<10240x128xf32, #tpu.memory_space<vmem_shared>>
          tpu.wait_indirect_dma semaphore(%run_scoped3A : memref<!tpu.dma_semaphore, #tpu.memory_space<semaphore_mem>>) src(%arg8 : memref<128x128xf32, #tpu.memory_space<vmem>>) dst(%dma_wait3A_35 : memref<10240x128xf32, #tpu.memory_space<vmem_shared>>)
          tpu.yield
        }) : () -> ()
      }
      %scan3A_19 = arith.constant 40 : i32
    }
    %scan3A_6 = arith.constant 2 : i32
    %barrier3A_7 = arith.constant 0 : index
    tpu.barrier barrier_id(%barrier3A_7)
    "tpu.region"() ({
      %run_scoped3A = tpu.sem_alloc : memref<!tpu.dma_semaphore, #tpu.memory_space<semaphore_mem>>
      %dma_start3A = arith.constant 0 : i32
      %dma_start3A_8 = arith.constant 0 : i32
      %dma_start3A_9 = tpu.memref_slice %arg5[%arg0, %dma_start3A, %dma_start3A_8] : memref<2x10240x128xf32, #tpu.memory_space<hbm>> -> memref<1x10240x128xf32, #tpu.memory_space<hbm>>
      %dma_start3A_10 = tpu.memref_squeeze %dma_start3A_9 : memref<1x10240x128xf32, #tpu.memory_space<hbm>> -> memref<10240x128xf32, #tpu.memory_space<hbm>>
      %dma_start3A_11 = arith.constant 0 : i32
      %dma_start3A_12 = tpu.memref_slice %dma_start3A_10[%mul3A_2, %dma_start3A_11] : memref<10240x128xf32, #tpu.memory_space<hbm>> -> memref<640x128xf32, #tpu.memory_space<hbm>>
      %dma_start3A_13 = arith.constant 0 : i32
      %dma_start3A_14 = tpu.memref_slice %arg9[%mul3A_2, %dma_start3A_13] : memref<10240x128xf32, #tpu.memory_space<vmem_shared>> -> memref<640x128xf32, #tpu.memory_space<vmem_shared>>
      tpu.enqueue_dma source(%dma_start3A_14 : memref<640x128xf32, #tpu.memory_space<vmem_shared>>) target(%dma_start3A_12 : memref<640x128xf32, #tpu.memory_space<hbm>>) target_semaphore(%run_scoped3A : memref<!tpu.dma_semaphore, #tpu.memory_space<semaphore_mem>>)
      %dma_wait3A = arith.constant 0 : i32
      %dma_wait3A_15 = arith.constant 0 : i32
      %dma_wait3A_16 = tpu.memref_slice %arg5[%arg0, %dma_wait3A, %dma_wait3A_15] : memref<2x10240x128xf32, #tpu.memory_space<hbm>> -> memref<1x10240x128xf32, #tpu.memory_space<hbm>>
      %dma_wait3A_17 = tpu.memref_squeeze %dma_wait3A_16 : memref<1x10240x128xf32, #tpu.memory_space<hbm>> -> memref<10240x128xf32, #tpu.memory_space<hbm>>
      %dma_wait3A_18 = arith.constant 0 : i32
      %dma_wait3A_19 = tpu.memref_slice %dma_wait3A_17[%mul3A_2, %dma_wait3A_18] : memref<10240x128xf32, #tpu.memory_space<hbm>> -> memref<640x128xf32, #tpu.memory_space<hbm>>
      %dma_wait3A_20 = arith.constant 0 : i32
      %dma_wait3A_21 = tpu.memref_slice %arg9[%mul3A_2, %dma_wait3A_20] : memref<10240x128xf32, #tpu.memory_space<vmem_shared>> -> memref<640x128xf32, #tpu.memory_space<vmem_shared>>
      tpu.wait_dma2 semaphore(%run_scoped3A : memref<!tpu.dma_semaphore, #tpu.memory_space<semaphore_mem>>) src(%dma_wait3A_21 : memref<640x128xf32, #tpu.memory_space<vmem_shared>>) dst(%dma_wait3A_19 : memref<640x128xf32, #tpu.memory_space<hbm>>)
      tpu.yield
    }) : () -> ()
    return
  }
}

module attributes {stable_mosaic.version = 14 : i64} {
  func.func @_tc_first_body(%arg0: i32, %arg1: memref<640x128xf32, #tpu.memory_space<vmem>>, %arg2: memref<128x128xf32, #tpu.memory_space<vmem>>, %arg3: memref<2x640x128xf32, #tpu.memory_space<vmem>>, %arg4: memref<640x128xf32, #tpu.memory_space<vmem>>) attributes {dimension_semantics = [#tpu.dimension_semantics<arbitrary>], iteration_bounds = array<i64: 16>, scalar_prefetch = 0 : i64, scratch_operands = 0 : i64, tpu.core_type = #tpu.core_type<tc>, window_params = [{transform_indices = @transform_0, window_bounds = array<i64: 640, 128>}, {pipeline_mode = #tpu.pipeline_mode<synchronous>, transform_indices = @transform_1, window_bounds = array<i64: 128, 128>}, {transform_indices = @transform_2, window_bounds = array<i64: 2, 640, 128>}, {transform_indices = @transform_3, window_bounds = array<i64: 640, 128>}]} {
    %get3A = arith.constant 0 : index
    %get3A_0 = arith.constant 0 : index
    %get3A_1 = arith.constant 0 : index
    %get3A_2 = vector.load %arg3[%get3A, %get3A_0, %get3A_1] : memref<2x640x128xf32, #tpu.memory_space<vmem>>, vector<1x640x1xf32>
    %get3A_3 = vector.shape_cast %get3A_2 : vector<1x640x1xf32> to vector<640x1xf32>
    %get3A_4 = arith.constant 1 : index
    %get3A_5 = arith.constant 0 : index
    %get3A_6 = arith.constant 0 : index
    %get3A_7 = vector.load %arg3[%get3A_4, %get3A_5, %get3A_6] : memref<2x640x128xf32, #tpu.memory_space<vmem>>, vector<1x640x1xf32>
    %get3A_8 = vector.shape_cast %get3A_7 : vector<1x640x1xf32> to vector<640x1xf32>
    %add3A = arith.addf %get3A_3, %get3A_8 : vector<640x1xf32>
    %sub3A = arith.constant 1.000000e+00 : f32
    %sub3A_9 = vector.broadcast %sub3A : f32 to vector<640x1xf32>
    %sub3A_10 = arith.subf %add3A, %sub3A_9 : vector<640x1xf32>
    %rsqrt3A = math.rsqrt %sub3A_10 : vector<640x1xf32>
    %get3A_11 = arith.constant 0 : index
    %get3A_12 = arith.constant 0 : index
    %get3A_13 = vector.load %arg1[%get3A_11, %get3A_12] : memref<640x128xf32, #tpu.memory_space<vmem>>, vector<640x128xf32>
    %get3A_14 = arith.constant 0 : index
    %get3A_15 = arith.constant 0 : index
    %get3A_16 = vector.load %arg2[%get3A_14, %get3A_15] : memref<128x128xf32, #tpu.memory_space<vmem>>, vector<128x128xf32>
    %dot_general3A = arith.constant dense<0.000000e+00> : vector<640x128xf32>
    %dot_general3A_17 = tpu.matmul %get3A_13, %get3A_16, %dot_general3A {dimension_numbers = #tpu.dot_dimension_numbers<[1], [0], [0], [1], [0, 0, 1, 1], [], []>, transpose_lhs_hint = false} : vector<640x128xf32>, vector<128x128xf32>, vector<640x128xf32> -> vector<640x128xf32>
    %mul3A = vector.broadcast %rsqrt3A : vector<640x1xf32> to vector<640x128xf32>
    %mul3A_18 = arith.mulf %dot_general3A_17, %mul3A : vector<640x128xf32>
    %swap3A = arith.constant 0 : index
    %swap3A_19 = arith.constant 0 : index
    %swap3A_20 = vector.load %arg4[%swap3A, %swap3A_19] : memref<640x128xf32, #tpu.memory_space<vmem>>, vector<640x128xf32>
    tpu.vector_store %arg4[%swap3A, %swap3A_19], %mul3A_18 {strides = array<i32>} : memref<640x128xf32, #tpu.memory_space<vmem>>, vector<640x128xf32>,
    return
  }
  func.func @transform_0(%arg0: i32) -> (i32, i32) {
    %c0_i32 = arith.constant 0 : i32
    %c0_i32_0 = arith.constant 0 : i32
    return %arg0, %c0_i32 : i32, i32
  }
  func.func @transform_1(%arg0: i32) -> (i32, i32) {
    %c0_i32 = arith.constant 0 : i32
    %c0_i32_0 = arith.constant 0 : i32
    %c0_i32_1 = arith.constant 0 : i32
    return %c0_i32, %c0_i32_0 : i32, i32
  }
  func.func @transform_2(%arg0: i32) -> (i32, i32, i32) {
    %c0_i32 = arith.constant 0 : i32
    %c0_i32_0 = arith.constant 0 : i32
    %c0_i32_1 = arith.constant 0 : i32
    return %c0_i32, %arg0, %c0_i32_0 : i32, i32, i32
  }
  func.func @transform_3(%arg0: i32) -> (i32, i32) {
    %c0_i32 = arith.constant 0 : i32
    %c0_i32_0 = arith.constant 0 : i32
    return %arg0, %c0_i32 : i32, i32
  }
}

module attributes {stable_mosaic.version = 14 : i64} {
  func.func @_tc_mid_body(%arg0: i32, %arg1: memref<2x640x128xf32, #tpu.memory_space<vmem>>, %arg2: memref<640x128xf32, #tpu.memory_space<vmem>>, %arg3: memref<2x640x128xf32, #tpu.memory_space<vmem>>, %arg4: memref<1x128xf32, #tpu.memory_space<vmem>>, %arg5: memref<128x128xf32, #tpu.memory_space<vmem>>, %arg6: memref<640x128xf32, #tpu.memory_space<vmem>>) attributes {dimension_semantics = [#tpu.dimension_semantics<arbitrary>], iteration_bounds = array<i64: 16>, scalar_prefetch = 0 : i64, scratch_operands = 0 : i64, tpu.core_type = #tpu.core_type<tc>, window_params = [{transform_indices = @transform_0, window_bounds = array<i64: 2, 640, 128>}, {transform_indices = @transform_1, window_bounds = array<i64: 640, 128>}, {transform_indices = @transform_2, window_bounds = array<i64: 2, 640, 128>}, {pipeline_mode = #tpu.pipeline_mode<synchronous>, transform_indices = @transform_3, window_bounds = array<i64: 1, 128>}, {pipeline_mode = #tpu.pipeline_mode<synchronous>, transform_indices = @transform_4, window_bounds = array<i64: 128, 128>}, {transform_indices = @transform_5, window_bounds = array<i64: 640, 128>}]} {
    %get3A = arith.constant 0 : index
    %get3A_0 = arith.constant 0 : index
    %get3A_1 = arith.constant 0 : index
    %get3A_2 = vector.load %arg3[%get3A, %get3A_0, %get3A_1] : memref<2x640x128xf32, #tpu.memory_space<vmem>>, vector<1x640x1xf32>
    %get3A_3 = vector.shape_cast %get3A_2 : vector<1x640x1xf32> to vector<640x1xf32>
    %get3A_4 = arith.constant 1 : index
    %get3A_5 = arith.constant 0 : index
    %get3A_6 = arith.constant 0 : index
    %get3A_7 = vector.load %arg3[%get3A_4, %get3A_5, %get3A_6] : memref<2x640x128xf32, #tpu.memory_space<vmem>>, vector<1x640x1xf32>
    %get3A_8 = vector.shape_cast %get3A_7 : vector<1x640x1xf32> to vector<640x1xf32>
    %add3A = arith.addf %get3A_3, %get3A_8 : vector<640x1xf32>
    %sub3A = arith.constant 1.000000e+00 : f32
    %sub3A_9 = vector.broadcast %sub3A : f32 to vector<640x1xf32>
    %sub3A_10 = arith.subf %add3A, %sub3A_9 : vector<640x1xf32>
    %rsqrt3A = math.rsqrt %sub3A_10 : vector<640x1xf32>
    %get3A_11 = arith.constant 0 : index
    %get3A_12 = arith.constant 0 : index
    %get3A_13 = arith.constant 0 : index
    %get3A_14 = vector.load %arg1[%get3A_11, %get3A_12, %get3A_13] : memref<2x640x128xf32, #tpu.memory_space<vmem>>, vector<1x640x128xf32>
    %get3A_15 = vector.shape_cast %get3A_14 : vector<1x640x128xf32> to vector<640x128xf32>
    %get3A_16 = arith.constant 1 : index
    %get3A_17 = arith.constant 0 : index
    %get3A_18 = arith.constant 0 : index
    %get3A_19 = vector.load %arg1[%get3A_16, %get3A_17, %get3A_18] : memref<2x640x128xf32, #tpu.memory_space<vmem>>, vector<1x640x128xf32>
    %get3A_20 = vector.shape_cast %get3A_19 : vector<1x640x128xf32> to vector<640x128xf32>
    %add3A_21 = arith.addf %get3A_15, %get3A_20 : vector<640x128xf32>
    %get3A_22 = arith.constant 0 : index
    %get3A_23 = arith.constant 0 : index
    %get3A_24 = vector.load %arg2[%get3A_22, %get3A_23] : memref<640x128xf32, #tpu.memory_space<vmem>>, vector<640x128xf32>
    %sub3A_25 = arith.subf %add3A_21, %get3A_24 : vector<640x128xf32>
    %mul3A = vector.broadcast %rsqrt3A : vector<640x1xf32> to vector<640x128xf32>
    %mul3A_26 = arith.mulf %mul3A, %sub3A_25 : vector<640x128xf32>
    %get3A_27 = arith.constant 0 : index
    %get3A_28 = arith.constant 0 : index
    %get3A_29 = vector.load %arg4[%get3A_27, %get3A_28] : memref<1x128xf32, #tpu.memory_space<vmem>>, vector<1x128xf32>
    %add3A_30 = vector.broadcast %get3A_29 : vector<1x128xf32> to vector<640x128xf32>
    %add3A_31 = arith.addf %mul3A_26, %add3A_30 : vector<640x128xf32>
    %max3A = arith.constant 0.000000e+00 : f32
    %max3A_32 = vector.broadcast %max3A : f32 to vector<640x128xf32>
    %max3A_33 = arith.maximumf %add3A_31, %max3A_32 : vector<640x128xf32>
    %get3A_34 = arith.constant 0 : index
    %get3A_35 = arith.constant 0 : index
    %get3A_36 = vector.load %arg5[%get3A_34, %get3A_35] : memref<128x128xf32, #tpu.memory_space<vmem>>, vector<128x128xf32>
    %dot_general3A = arith.constant dense<0.000000e+00> : vector<640x128xf32>
    %dot_general3A_37 = tpu.matmul %max3A_33, %get3A_36, %dot_general3A {dimension_numbers = #tpu.dot_dimension_numbers<[1], [0], [0], [1], [0, 0, 1, 1], [], []>, transpose_lhs_hint = false} : vector<640x128xf32>, vector<128x128xf32>, vector<640x128xf32> -> vector<640x128xf32>
    %mul3A_38 = vector.broadcast %rsqrt3A : vector<640x1xf32> to vector<640x128xf32>
    %mul3A_39 = arith.mulf %dot_general3A_37, %mul3A_38 : vector<640x128xf32>
    %swap3A = arith.constant 0 : index
    %swap3A_40 = arith.constant 0 : index
    %swap3A_41 = vector.load %arg6[%swap3A, %swap3A_40] : memref<640x128xf32, #tpu.memory_space<vmem>>, vector<640x128xf32>
    tpu.vector_store %arg6[%swap3A, %swap3A_40], %mul3A_39 {strides = array<i32>} : memref<640x128xf32, #tpu.memory_space<vmem>>, vector<640x128xf32>,
    return
  }
  func.func @transform_0(%arg0: i32) -> (i32, i32, i32) {
    %c0_i32 = arith.constant 0 : i32
    %c0_i32_0 = arith.constant 0 : i32
    %c0_i32_1 = arith.constant 0 : i32
    return %c0_i32, %arg0, %c0_i32_0 : i32, i32, i32
  }
  func.func @transform_1(%arg0: i32) -> (i32, i32) {
    %c0_i32 = arith.constant 0 : i32
    %c0_i32_0 = arith.constant 0 : i32
    return %arg0, %c0_i32 : i32, i32
  }
  func.func @transform_2(%arg0: i32) -> (i32, i32, i32) {
    %c0_i32 = arith.constant 0 : i32
    %c0_i32_0 = arith.constant 0 : i32
    %c0_i32_1 = arith.constant 0 : i32
    return %c0_i32, %arg0, %c0_i32_0 : i32, i32, i32
  }
  func.func @transform_3(%arg0: i32) -> (i32, i32) {
    %c0_i32 = arith.constant 0 : i32
    %c0_i32_0 = arith.constant 0 : i32
    %c0_i32_1 = arith.constant 0 : i32
    return %c0_i32, %c0_i32_0 : i32, i32
  }
  func.func @transform_4(%arg0: i32) -> (i32, i32) {
    %c0_i32 = arith.constant 0 : i32
    %c0_i32_0 = arith.constant 0 : i32
    %c0_i32_1 = arith.constant 0 : i32
    return %c0_i32, %c0_i32_0 : i32, i32
  }
  func.func @transform_5(%arg0: i32) -> (i32, i32) {
    %c0_i32 = arith.constant 0 : i32
    %c0_i32_0 = arith.constant 0 : i32
    return %arg0, %c0_i32 : i32, i32
  }
}

module attributes {stable_mosaic.version = 14 : i64} {
  func.func @_tc_final_body(%arg0: i32, %arg1: memref<2x640x128xf32, #tpu.memory_space<vmem>>, %arg2: memref<640x128xf32, #tpu.memory_space<vmem>>, %arg3: memref<2x640x128xf32, #tpu.memory_space<vmem>>, %arg4: memref<1x128xf32, #tpu.memory_space<vmem>>, %arg5: memref<640x128xf32, #tpu.memory_space<vmem>>) attributes {dimension_semantics = [#tpu.dimension_semantics<arbitrary>], iteration_bounds = array<i64: 16>, scalar_prefetch = 0 : i64, scratch_operands = 0 : i64, tpu.core_type = #tpu.core_type<tc>, window_params = [{transform_indices = @transform_0, window_bounds = array<i64: 2, 640, 128>}, {transform_indices = @transform_1, window_bounds = array<i64: 640, 128>}, {transform_indices = @transform_2, window_bounds = array<i64: 2, 640, 128>}, {pipeline_mode = #tpu.pipeline_mode<synchronous>, transform_indices = @transform_3, window_bounds = array<i64: 1, 128>}, {transform_indices = @transform_4, window_bounds = array<i64: 640, 128>}]} {
    %get3A = arith.constant 0 : index
    %get3A_0 = arith.constant 0 : index
    %get3A_1 = arith.constant 0 : index
    %get3A_2 = vector.load %arg3[%get3A, %get3A_0, %get3A_1] : memref<2x640x128xf32, #tpu.memory_space<vmem>>, vector<1x640x1xf32>
    %get3A_3 = vector.shape_cast %get3A_2 : vector<1x640x1xf32> to vector<640x1xf32>
    %get3A_4 = arith.constant 1 : index
    %get3A_5 = arith.constant 0 : index
    %get3A_6 = arith.constant 0 : index
    %get3A_7 = vector.load %arg3[%get3A_4, %get3A_5, %get3A_6] : memref<2x640x128xf32, #tpu.memory_space<vmem>>, vector<1x640x1xf32>
    %get3A_8 = vector.shape_cast %get3A_7 : vector<1x640x1xf32> to vector<640x1xf32>
    %add3A = arith.addf %get3A_3, %get3A_8 : vector<640x1xf32>
    %sub3A = arith.constant 1.000000e+00 : f32
    %sub3A_9 = vector.broadcast %sub3A : f32 to vector<640x1xf32>
    %sub3A_10 = arith.subf %add3A, %sub3A_9 : vector<640x1xf32>
    %rsqrt3A = math.rsqrt %sub3A_10 : vector<640x1xf32>
    %get3A_11 = arith.constant 0 : index
    %get3A_12 = arith.constant 0 : index
    %get3A_13 = arith.constant 0 : index
    %get3A_14 = vector.load %arg1[%get3A_11, %get3A_12, %get3A_13] : memref<2x640x128xf32, #tpu.memory_space<vmem>>, vector<1x640x128xf32>
    %get3A_15 = vector.shape_cast %get3A_14 : vector<1x640x128xf32> to vector<640x128xf32>
    %get3A_16 = arith.constant 1 : index
    %get3A_17 = arith.constant 0 : index
    %get3A_18 = arith.constant 0 : index
    %get3A_19 = vector.load %arg1[%get3A_16, %get3A_17, %get3A_18] : memref<2x640x128xf32, #tpu.memory_space<vmem>>, vector<1x640x128xf32>
    %get3A_20 = vector.shape_cast %get3A_19 : vector<1x640x128xf32> to vector<640x128xf32>
    %add3A_21 = arith.addf %get3A_15, %get3A_20 : vector<640x128xf32>
    %get3A_22 = arith.constant 0 : index
    %get3A_23 = arith.constant 0 : index
    %get3A_24 = vector.load %arg2[%get3A_22, %get3A_23] : memref<640x128xf32, #tpu.memory_space<vmem>>, vector<640x128xf32>
    %sub3A_25 = arith.subf %add3A_21, %get3A_24 : vector<640x128xf32>
    %mul3A = vector.broadcast %rsqrt3A : vector<640x1xf32> to vector<640x128xf32>
    %mul3A_26 = arith.mulf %mul3A, %sub3A_25 : vector<640x128xf32>
    %get3A_27 = arith.constant 0 : index
    %get3A_28 = arith.constant 0 : index
    %get3A_29 = vector.load %arg4[%get3A_27, %get3A_28] : memref<1x128xf32, #tpu.memory_space<vmem>>, vector<1x128xf32>
    %add3A_30 = vector.broadcast %get3A_29 : vector<1x128xf32> to vector<640x128xf32>
    %add3A_31 = arith.addf %mul3A_26, %add3A_30 : vector<640x128xf32>
    %swap3A = arith.constant 0 : index
    %swap3A_32 = arith.constant 0 : index
    %swap3A_33 = vector.load %arg5[%swap3A, %swap3A_32] : memref<640x128xf32, #tpu.memory_space<vmem>>, vector<640x128xf32>
    tpu.vector_store %arg5[%swap3A, %swap3A_32], %add3A_31 {strides = array<i32>} : memref<640x128xf32, #tpu.memory_space<vmem>>, vector<640x128xf32>,
    return
  }
  func.func @transform_0(%arg0: i32) -> (i32, i32, i32) {
    %c0_i32 = arith.constant 0 : i32
    %c0_i32_0 = arith.constant 0 : i32
    %c0_i32_1 = arith.constant 0 : i32
    return %c0_i32, %arg0, %c0_i32_0 : i32, i32, i32
  }
  func.func @transform_1(%arg0: i32) -> (i32, i32) {
    %c0_i32 = arith.constant 0 : i32
    %c0_i32_0 = arith.constant 0 : i32
    return %arg0, %c0_i32 : i32, i32
  }
  func.func @transform_2(%arg0: i32) -> (i32, i32, i32) {
    %c0_i32 = arith.constant 0 : i32
    %c0_i32_0 = arith.constant 0 : i32
    %c0_i32_1 = arith.constant 0 : i32
    return %c0_i32, %arg0, %c0_i32_0 : i32, i32, i32
  }
  func.func @transform_3(%arg0: i32) -> (i32, i32) {
    %c0_i32 = arith.constant 0 : i32
    %c0_i32_0 = arith.constant 0 : i32
    %c0_i32_1 = arith.constant 0 : i32
    return %c0_i32, %c0_i32_0 : i32, i32
  }
  func.func @transform_4(%arg0: i32) -> (i32, i32) {
    %c0_i32 = arith.constant 0 : i32
    %c0_i32_0 = arith.constant 0 : i32
    return %arg0, %c0_i32 : i32, i32
  }
}

</mosaic_0001>

<sc_bundles>
// kernel: kernel.10.cloned.1.call-start
scs
__scs_entry_jumppad:
0x0: {  	(pc) =	sbr.rel $0x88, $3  }
0x1: {  	(tag) =	ssettag $0x0;
	lr =	simm.s32 $0x1  }
0x2: {  	[smem:$0x3F99] =	sst lr;
	_ =	strace $0xD0000000  }
0x3: {  	_ = 	snop  }
0x4: {  	_ = 	snop  }
0x5: {  	_ = 	snop  }
0x6: {  	_ = 	snop  }
0x7: {  	_ = 	snop  }
__scs_overlays_trampoline_lowered:
0x8: {  	[smem:$0x3FA8] =	sst s0  }
0x9: {  	[smem:$0x3FA9] =	sst s1  }
0xa: {  	[smem:$0x3FAA] =	sst s2  }
0xb: {  	[smem:$0x3FAB] =	sst s3  }
0xc: {  	[smem:$0x3FAC] =	sst s4  }
0xd: {  	[smem:$0x3FAD] =	sst s5  }
0xe: {  	[smem:$0x3FAE] =	sst s6  }
0xf: {  	[smem:$0x3FAF] =	sst s7  }
0x10: {  	[smem:$0x3FB0] =	sst s8  }
0x11: {  	[smem:$0x3FB1] =	sst s9;
	s0 =	simm.s32 @!p0 $0x0  }
0x12: {  	s1 =	sld [smem:$0x3F97];
	s0 =	simm.s32 @p0 $0x1  }
0x13: {  	[smem:$0x3FB2] =	sst s0;
	s0 =	simm.s32 @!p1 $0x0  }
0x14: {  	s2 =	sld [smem:$0x3F96];
	s0 =	simm.s32 @p1 $0x1  }
0x15: {  	[smem:$0x3FB3] =	sst s0;
	s0 =	simm.s32 @!p2 $0x0  }
0x16: {  	s3 =	sld [smem:$0x3FDB];
	s0 =	simm.s32 @p2 $0x1  }
0x17: {  	s4 =	simm.s32 $0x1BF5;
	[smem:$0x3FB5] =	sst s0  }
0x18: {  	s0 =	sld [smem:$0x3F98];
	_ =	swait.ge [sflag:s4], $0x0  }
0x19: {  	s7 =	sld [smem:$0x3F99]  }
0x1a: {  	s8 =	sadd.s32 $0xFFFFE003, lr  }
0x1b: {  	s9 =	sadd.s32 $0xFFFFFEF7, lr;
	s5 =	simm.s32 $0xFFFFFFFF;
	p2 =	slt.u32 s8, $0xFFFFF086  }
0x1c: {  	p1 =	slt.u32 s9, $0xF7A;
	s5 =	simm.s32 @!p2 $0x0  }
0x1d: {  	s5 =	simm.s32 @p1 $0x1;
	p0 =	seq.s32 s7, s2  }
0x1e: {  	s7 =	smul.u32 @!p0 $0xF7A, s2;
	p2 =	seq.s32 @!p0 s5, $0x0  }
0x1f: {  	s9 =	smul.u32 $0xF7A, s1;
	s8 =	simm.s32 @!p0 $0x1BF5;
	p2 =	por !p2, p0  }
0x20: {  	[sflag:s8] =	ssyncset.s32 @!p0 $0xFFFFF086;
	s6 =	sadd.s32 @!p0 s3, s7;
	s7 =	simm.s32 @!p0 $0x108  }
0x21: {  	s3 =	sadd.s32 s3, s9;
	s6 =	sadd.s32 @!p0 $0x88, s6;
	s7 =	simm.s32 @p2 $0x1082  }
0x22: {  	[simem:s7], [sflag:s8] =	dma.local @!p0 [hbm:s6], $0xF7A  }
0x23: {  	s9 =	sor.u32 $0xD0000000, s2;
	s6 =	simm.s32 $0x108;
	_ =	swait.ge @!p0 [sflag:s8], $0x0  }
0x24: {  	s3 =	sadd.s32 $0x88, s3;
	s6 =	simm.s32 @!p1 $0x1082;
	[sflag:s4] =	ssyncset.s32 $0xFFFFF086  }
0x25: {  	[simem:s6], [sflag:s4] =	dma.local [hbm:s3], $0xF7A  }
0x26: {  	[smem:$0x3F99] =	sst s1;
	(tag) =	ssettag s2;
	_ =	strace s9  }
0x27: {  	s1 =	sld [smem:$0x3FA9]  }
0x28: {  	s2 =	sld [smem:$0x3FAA]  }
0x29: {  	s4 =	sld [smem:$0x3FAC]  }
0x2a: {  	p0 =	seq.s32 s5, $0x0;
	s5 =	sld [smem:$0x3FAD]  }
0x2b: {  	s6 =	sld [smem:$0x3FAE]  }
0x2c: {  	s7 =	sld [smem:$0x3FAF]  }
0x2d: {  	s3 =	simm.s32 $0x108;
	s8 =	sld [smem:$0x3FB0]  }
0x2e: {  	s3 =	simm.s32 @!p0 $0x1082;
	s9 =	sld [smem:$0x3FB1]  }
0x2f: {  	lr =	sadd.s32 s0, s3;
	s0 =	sld [smem:$0x3FA8]  }
0x30: {  	s3 =	sld [smem:$0x3FAB]  }
0x31: {  	[smem:$0x3FB4] =	sst s10  }
0x32: {  	s10 =	sld [smem:$0x3FB2];
	_ =	sdelay $0x3  }
0x33: {  	p0 =	seq.s32 s10, $0x1;
	s10 =	sld [smem:$0x3FB4];
	_ =	sdelay $0x3  }
0x34: {  	[smem:$0x3FB4] =	sst s10  }
0x35: {  	s10 =	sld [smem:$0x3FB3];
	_ =	sdelay $0x3  }
0x36: {  	p1 =	seq.s32 s10, $0x1;
	s10 =	sld [smem:$0x3FB4];
	_ =	sdelay $0x3  }
0x37: {  	[smem:$0x3FB4] =	sst s10  }
0x38: {  	s10 =	sld [smem:$0x3FB5]  }
0x39: {  	_ = 	snop;
	(pc) =	sbr.ind lr, $3  }
0x3a: {  	_ = 	snop  }
0x3b: {  	_ = 	snop  }
0x3c: {  	p2 =	seq.s32 s10, $0x1;
	s10 =	sld [smem:$0x3FB4]  }
0x3d: {  	_ =	shalt  }
0x3e: {  	_ =	shalt  }
0x3f: {  	_ =	shalt  }
0x40: {  	_ =	shalt  }
0x41: {  	_ =	shalt  }
0x42: {  	_ =	shalt  }
0x43: {  	_ =	shalt  }
0x44: {  	_ =	shalt  }
0x45: {  	_ =	shalt  }
0x46: {  	_ =	shalt  }
0x47: {  	_ =	shalt  }
0x48: {  	_ =	shalt  }
0x49: {  	_ =	shalt  }
0x4a: {  	_ =	shalt  }
0x4b: {  	_ =	shalt  }
0x4c: {  	_ =	shalt  }
0x4d: {  	_ =	shalt  }
0x4e: {  	_ =	shalt  }
0x4f: {  	_ =	shalt  }
0x50: {  	_ =	shalt  }
0x51: {  	_ =	shalt  }
0x52: {  	_ =	shalt  }
0x53: {  	_ =	shalt  }
0x54: {  	_ =	shalt  }
0x55: {  	_ =	shalt  }
0x56: {  	_ =	shalt  }
0x57: {  	_ =	shalt  }
0x58: {  	_ =	shalt  }
0x59: {  	_ =	shalt  }
0x5a: {  	_ =	shalt  }
0x5b: {  	_ =	shalt  }
0x5c: {  	_ =	shalt  }
0x5d: {  	_ =	shalt  }
0x5e: {  	_ =	shalt  }
0x5f: {  	_ =	shalt  }
0x60: {  	_ =	shalt  }
0x61: {  	_ =	shalt  }
0x62: {  	_ =	shalt  }
0x63: {  	_ =	shalt  }
0x64: {  	_ =	shalt  }
0x65: {  	_ =	shalt  }
0x66: {  	_ =	shalt  }
0x67: {  	_ =	shalt  }
0x68: {  	_ =	shalt  }
0x69: {  	_ =	shalt  }
0x6a: {  	_ =	shalt  }
0x6b: {  	_ =	shalt  }
0x6c: {  	_ =	shalt  }
0x6d: {  	_ =	shalt  }
0x6e: {  	_ =	shalt  }
0x6f: {  	_ =	shalt  }
0x70: {  	_ =	shalt  }
0x71: {  	_ =	shalt  }
0x72: {  	_ =	shalt  }
0x73: {  	_ =	shalt  }
0x74: {  	_ =	shalt  }
0x75: {  	_ =	shalt  }
0x76: {  	_ =	shalt  }
0x77: {  	_ =	shalt  }
0x78: {  	_ =	shalt  }
0x79: {  	_ =	shalt  }
0x7a: {  	_ =	shalt  }
0x7b: {  	_ =	shalt  }
0x7c: {  	_ =	shalt  }
0x7d: {  	_ =	shalt  }
0x7e: {  	_ =	shalt  }
0x7f: {  	_ =	shalt  }
0x80: {  	_ =	shalt  }
0x81: {  	_ =	shalt  }
0x82: {  	_ =	shalt  }
0x83: {  	_ =	shalt  }
0x84: {  	_ =	shalt  }
0x85: {  	_ =	shalt  }
0x86: {  	_ =	shalt  }
0x87: {  	_ =	shalt  }
.Lfunc_end0:
.L_simem_size_0:
called_computation_lowered:
.L_overlay_start_0:
0x88: {  	s2 =	sld [smem:$0x3FD9]  }
0x89: {  	s3 =	sld [smem:$0x3FFE];
	_ =	sdelay $0x1  }
0x8a: {  	s1 =	srdreg.scid  }
0x8b: {  	s0 =	sand.u32 $0x1, s1  }
0x8c: {  	s17 =	sshll.u32 s0, $0xA;
	s2 =	sadd.s32 s3, s2  }
0x8d: {  	s2 =	sadd.s32 s2, s17  }
0x8e: {  	[smem:$0x3FC0] =	sst s2  }
0x8f: {  	_ = 	snop  }
0x90: {  	s2 =	sld [smem:$0x3FD0];
	(tm) =	ssettm $0x1  }
0x91: {  	s18 =	sld [smem:$0x3FFB];
	_ =	sdelay $0x3  }
0x92: {  	_ =	strace s18  }
0x93: {  	s3 =	sld [smem:$0x3FFC];
	_ =	sdelay $0x3  }
0x94: {  	_ =	strace s3  }
0x95: {  	s3 =	sld [smem:$0x3FFD];
	_ =	sdelay $0x3  }
0x96: {  	_ =	strace s3  }
0x97: {  	_ =	strace $0x8FFFFFFF  }
0x98: {  	s19 =	sld [smem:$0x3FDB];
	_ =	sdelay $0x1  }
0x99: {  	s4 =	simm.s32 $_scs_section_size  }
0x9a: {  	s5 =	simm.s32 $_size__tile_overlayer_lowered;
	s6 =	simm.s32 $_tile_overlayer_lowered  }
0x9b: {  	s22 =	simm.s32 $0x1BFF;
	s21 =	sshll.u32 s6, $0x1;
	s3 =	sadd.s32 s4, s19  }
0x9c: {  	s7 =	simm.s32 $0x0;
	s20 =	sshll.u32 s5, $0x1;
	s5 =	sadd.s32 s21, s3  }
0x9d: {  	[timem:s7], [sflag:s22] =	dma.local [hbm:s5], s20  }
0x9e: {  	_ =	swait.ge [sflag:s22], s20  }
0x9f: {  	s4 =	ssub.s32 $0x0, s20;
	[sflag:s22] =	ssyncset.done $0x0  }
0xa0: {  	[sflag:s22] =	ssyncadd.s32 s4;
	_ =	sdelay $0x1  }
0xa1: {  	s23 =	simm.s32 $0x1B8B  }
0xa2: {  	_ =	swait.ge [sflag:s23], $0x1  }
0xa3: {  	[sflag:s23] =	ssyncset.done $0x0  }
0xa4: {  	s25 =	simm.s32 $0x1B8E;
	s24 =	sld [smem:$0x3FFE];
	[sflag:s23] =	ssyncadd.s32 $0xFFFFFFFF  }
0xa5: {  	s26 =	simm.s32 $execute0_lowered;
	[smem:$0x3FD2] =	sst s25  }
0xa6: {  	s5 =	sshll.u32 s26, $0x1;
	_ =	strace $0x80000046;
	[dreg:$0x1] =	wrdreg $0xFFFFFFFF  }
0xa7: {  	s28 =	simm.s32 $_size_execute0_lowered;
	s3 =	sadd.s32 s3, s5;
	[dreg:$0x0] =	wrdreg $0x0  }
0xa8: {  	s5 =	sshll.u32 s28, $0x1;
	[dreg:$0x2] =	wrdreg s3  }
0xa9: {  	[dreg:$0x3] =	wrdreg s5  }
0xaa: {  	[dreg:$0x4] =	wrdreg $0xC0  }
0xab: {  	_ =	task [dreg:s7], $0x5FFFF  }
0xac: {  	[dreg:$0x1] =	wrdreg $0xFFFFFFFF  }
0xad: {  	[dreg:$0x0] =	wrdreg $0x60  }
0xae: {  	[dreg:$0x2] =	wrdreg s24  }
0xaf: {  	[dreg:$0x3] =	wrdreg s2  }
0xb0: {  	[dreg:$0x4] =	wrdreg $0x68000  }
0xb1: {  	[dreg:$0x5] =	wrdreg $0x9  }
0xb2: {  	_ =	task.clear_ibuf [dreg:s7], $0x6FFFF;
	_ =	strace $0x90000046  }
0xb3: {  	s29 =	simm.s32 $0x9;
	_ =	strace $0x80000048  }
0xb4: {  	_ =	swait.ge [sflag:s29], $0x1  }
0xb5: {  	[sflag:s29] =	ssyncadd.s32 $0xFFFFFFFF  }
0xb6: {  	_ =	strace $0x90000048  }
0xb7: {  	_ =	sfence  }
0xb8: {  	s30 =	sld [smem:$0x0];
	_ =	sdelay $0x2  }
0xb9: {  	s31 =	sshll.u32 s1, $0xD;
	s1 =	sshrl.u32 s1, $0x2  }
0xba: {  	s3 =	sand.u32 $0x4000, s31;
	s1 =	sadd.s32 s1, s30  }
0xbb: {  	s0 =	sor.u32 s3, s0;
	s1 =	sshll.u32 s1, $0x11  }
0xbc: {  	s0 =	sor.u32 s1, s0  }
0xbd: {  	s0 =	sadd.s32 $0x8F2B, s0  }
0xbe: {  	[sflag:s0] =	ssyncadd.remote.s32 $0x1  }
0xbf: {  	_ =	sfence.sel $0xFFFF  }
0xc0: {  	[dreg:$0x0] =	wrdreg $0xFFFFFFFF;
	(pc) =	sbr.abs _section_cstart, $3  }
0xc1: {  	[dreg:$0x1] =	wrdreg $0xFFFFFFFF  }
0xc2: {  	_ =	task.clear_ibuf [dreg:s7], $0x2FFFF;
	_ =	strace $0x9FFFFFFF  }
0xc3: {  	(tm) =	ssettm $0x7FFFFFFF  }
tec
execute0_lowered:
.L_overlay_start_1:
0x0: {  	(tag) =	ssettag $0x1  }
0x1: {  	s5 =	rddreg [dreg:$0x0]  }
0x2: {  	s6 =	rddreg [dreg:$0x1]  }
0x3: {  	s1 =	rddreg [dreg:$0x2]  }
0x4: {  	s2 =	srdreg.scid;
	s0 =	rddreg [dreg:$0x3]  }
0x5: {  	s3 =	simm.s32 $0x0;
	s7 =	sand.u32 $0x1, s2;
	s2 =	stileid.u32  }
0x6: {  	s12 =	simm.s32 $0x80;
	[smem:$0x7FF] =	sst s3;
	s8 =	smul.u32 $0x28000, s7  }
0x7: {  	s4 =	sshll.u32 s7, $0x4;
	_ =	strace $0x80000047;
	s10 =	smul.u32 $0x50000, s2  }
0x8: {  	s7 =	ssub.s32 $0x2, s7;
	s13 =	smul.u32 $0x2800, s2;
	s4 =	sor.u32 s2, s4  }
0x9: {  	s31 =	sshll.u32 s2, $0x6;
	s29 =	sshrl.u32 s7, $0x1;
	s9 =	smul.u32 $0x500, s4  }
0xa: {  	s4 =	sadd.s32 $0x3600, s5;
	s8 =	sadd.s32 s8, s5;
	s30 =	sshrl.u32 s10, $0x2  }
0xb: {  	s7 =	ssub.s32 s7, s29;
	s10 =	sor.u32 $0x1C01, s31;
	s11 =	sadd.s32 s30, s1  }
0xc: {  	s14 =	sadd.s32 $0x2B600, s8;
	s7 =	smax.u32 s7, $0x1;
	s8 =	simm.s32 $0x1  }
0xd: {  	s5 =	sadd.s32 s6, s9;
	s6 =	sadd.s32 s4, s13;
	s9 =	simm.s32 $0x2800  }
0xe: {  	s11 =	sshrl.u32 s11, $0x3;
	s13 =	sadd.s32 s13, s14;
	s14 =	simm.s32 $0x0  }
.LBB2_1:
0xf: {  	[tilespmem:s3], [sflag:$0x1] =	stream.linear.gather [hbm4b:s5+s3], $0x2800, $0x38;
	[tilespmem:$0x1A800] =	vst v63  }
0x10: {  	_ =	swait.ge [sflag:s8], $0x2800  }
0x11: {  	[sflag:s8] =	ssyncset.done $0x0  }
0x12: {  	[sflag:s8] =	ssyncadd.s32 $0xFFFFD800  }
0x13: {  	[tilespmem:s9], [sflag:$0x1] =	stream.linear.gather [hbm4b:s4+s3], $0x4000, $0x38;
	[tilespmem:$0x1A800] =	vst v63  }
0x14: {  	_ =	swait.ge [sflag:s8], $0x4000  }
0x15: {  	[sflag:s8] =	ssyncset.done $0x0  }
0x16: {  	[sflag:s8] =	ssyncadd.s32 $0xFFFFC000  }
0x17: {  	[spmem:s11], [sflag:s10] =	dma.local [hbm:s6], $0x2800  }
0x18: {  	_ =	swait.ge [sflag:s8], $0x2800  }
0x19: {  	[sflag:s8] =	ssyncset.done $0x0  }
0x1a: {  	[sflag:s8] =	ssyncadd.s32 $0xFFFFD800  }
0x1b: {  	s15 =	simm.s32 $0x0;
	[bflag:$0x0] =	sbarrier.arrive $0xFFFF  }
0x1c: {  	[spmem:s1] =	stream.indirect.scatter.add.f32 [tilespmem:s9], [sflag:$0x1], $0x80, s15, s12, $0xb8;
	[tilespmem:$0x1A800] =	vst v63  }
0x1d: {  	_ =	swait.ge [sflag:s8], $0x4000  }
0x1e: {  	s15 =	simm.s32 $0x200;
	[sflag:s8] =	ssyncset.done $0x0  }
.LBB2_2:
0x1f: {  	s16 =	sshra.s32 s15, $0x2;
	[sflag:s8] =	ssyncadd.s32 $0xFFFFC000;
	p0 =	sne.s32 s15, $0x9E00  }
0x20: {  	[spmem:s1] =	stream.indirect.scatter.add.f32 [tilespmem:s9], [sflag:$0x1], $0x80, s16, s12, $0xb8;
	[tilespmem:$0x1A800] =	vst v63  }
.Ltmp0:
0x21: {  	_ = 	snop;
	(pc) =	sbr.rel @p0 .LBB2_2-.Ltmp0, $4  }
0x22: {  	_ = 	snop  }
0x23: {  	s15 =	sadd.s32 $0x200, s15  }
0x24: {  	_ =	swait.ge [sflag:s8], $0x4000  }
0x25: {  	[sflag:s8] =	ssyncset.done $0x0  }
0x26: {  	s14 =	sadd.s32 $0x1, s14  }
0x27: {  	[sflag:s8] =	ssyncadd.s32 $0xFFFFC000;
	p0 =	sne.s32 s14, s7  }
.Ltmp1:
0x28: {  	[bflag:$0x0] =	sbarrier.arrive $0xFFFF;
	(pc) =	sbr.rel @p0 .LBB2_1-.Ltmp1, $4  }
0x29: {  	[hbm:s13], [sflag:s10] =	dma.local [spmem:s11], $0x2800  }
0x2a: {  	_ =	swait.ge [sflag:s8], $0x2800  }
0x2b: {  	[sflag:s8] =	ssyncset.done $0x0  }
0x2c: {  	[sflag:s8] =	ssyncadd.s32 $0xFFFFD800  }
0x2d: {  	_ =	sfence.sel $0x180000  }
0x2e: {  	[bflag:$0x0] =	sbarrier.arrive $0xFFFF  }
0x2f: {  	p0 =	sne.s32 s2, $0x0;
	_ =	strace $0x90000047  }
0x30: {  	s0 =	sadd.s32 @!p0 $0x100000, s0;
	[bflag:$0x2] =	sbarrier.arrive $0xFFFF  }
0x31: {  	[sflag:s0] =	ssyncadd.tile.s32 @!p0 $0x1;
	_ =	shalt  }
.Lfunc_end2:
_tile_overlayer_lowered:
.L_overlay_start_2:
0x32: {  	(tag) =	ssettag $0x2  }
0x33: {  	s0 =	rddreg [dreg:$0x0];
	s2 =	stileid.u32  }
0x34: {  	s1 =	rddreg [dreg:$0x1];
	p0 =	sne.s32 s2, $0x0  }
0x35: {  	s3 =	rddreg [dreg:$0x2];
	[bflag:$0x3] =	sbarrier.arrive $0xFFFF;
	s2 =	simm.s32 @!p0 $0x1C01  }
0x36: {  	[timem:s3], [sflag:s2] =	dma.local @!p0 [hbm:s0], s1  }
0x37: {  	s0 =	simm.s32 @!p0 $0x1  }
0x38: {  	_ =	swait.ge @!p0 [sflag:s0], s1  }
0x39: {  	s1 =	ssub.s32 @!p0 $0x0, s1;
	[sflag:s0] =	ssyncset.done @!p0 $0x0  }
0x3a: {  	[sflag:s0] =	ssyncadd.s32 @!p0 s1  }
0x3b: {  	[bflag:$0x3] =	sbarrier.arrive $0xFFFF  }
0x3c: {  	_ =	shalt  }

// kernel: kernel.13.cloned.1.call-start
scs
__scs_entry_jumppad:
0x0: {  	(pc) =	sbr.rel $0x88, $3  }
0x1: {  	(tag) =	ssettag $0x0;
	lr =	simm.s32 $0x1  }
0x2: {  	[smem:$0x3F99] =	sst lr;
	_ =	strace $0xD0000000  }
0x3: {  	_ = 	snop  }
0x4: {  	_ = 	snop  }
0x5: {  	_ = 	snop  }
0x6: {  	_ = 	snop  }
0x7: {  	_ = 	snop  }
__scs_overlays_trampoline_lowered:
0x8: {  	[smem:$0x3FA8] =	sst s0  }
0x9: {  	[smem:$0x3FA9] =	sst s1  }
0xa: {  	[smem:$0x3FAA] =	sst s2  }
0xb: {  	[smem:$0x3FAB] =	sst s3  }
0xc: {  	[smem:$0x3FAC] =	sst s4  }
0xd: {  	[smem:$0x3FAD] =	sst s5  }
0xe: {  	[smem:$0x3FAE] =	sst s6  }
0xf: {  	[smem:$0x3FAF] =	sst s7  }
0x10: {  	[smem:$0x3FB0] =	sst s8  }
0x11: {  	[smem:$0x3FB1] =	sst s9;
	s0 =	simm.s32 @!p0 $0x0  }
0x12: {  	s1 =	sld [smem:$0x3F97];
	s0 =	simm.s32 @p0 $0x1  }
0x13: {  	[smem:$0x3FB2] =	sst s0;
	s0 =	simm.s32 @!p1 $0x0  }
0x14: {  	s2 =	sld [smem:$0x3F96];
	s0 =	simm.s32 @p1 $0x1  }
0x15: {  	[smem:$0x3FB3] =	sst s0;
	s0 =	simm.s32 @!p2 $0x0  }
0x16: {  	s3 =	sld [smem:$0x3FDB];
	s0 =	simm.s32 @p2 $0x1  }
0x17: {  	s4 =	simm.s32 $0x1BF5;
	[smem:$0x3FB5] =	sst s0  }
0x18: {  	s0 =	sld [smem:$0x3F98];
	_ =	swait.ge [sflag:s4], $0x0  }
0x19: {  	s7 =	sld [smem:$0x3F99]  }
0x1a: {  	s8 =	sadd.s32 $0xFFFFE003, lr  }
0x1b: {  	s9 =	sadd.s32 $0xFFFFFEF7, lr;
	s5 =	simm.s32 $0xFFFFFFFF;
	p2 =	slt.u32 s8, $0xFFFFF086  }
0x1c: {  	p1 =	slt.u32 s9, $0xF7A;
	s5 =	simm.s32 @!p2 $0x0  }
0x1d: {  	s5 =	simm.s32 @p1 $0x1;
	p0 =	seq.s32 s7, s2  }
0x1e: {  	s7 =	smul.u32 @!p0 $0xF7A, s2;
	p2 =	seq.s32 @!p0 s5, $0x0  }
0x1f: {  	s9 =	smul.u32 $0xF7A, s1;
	s8 =	simm.s32 @!p0 $0x1BF5;
	p2 =	por !p2, p0  }
0x20: {  	[sflag:s8] =	ssyncset.s32 @!p0 $0xFFFFF086;
	s6 =	sadd.s32 @!p0 s3, s7;
	s7 =	simm.s32 @!p0 $0x108  }
0x21: {  	s3 =	sadd.s32 s3, s9;
	s6 =	sadd.s32 @!p0 $0x88, s6;
	s7 =	simm.s32 @p2 $0x1082  }
0x22: {  	[simem:s7], [sflag:s8] =	dma.local @!p0 [hbm:s6], $0xF7A  }
0x23: {  	s9 =	sor.u32 $0xD0000000, s2;
	s6 =	simm.s32 $0x108;
	_ =	swait.ge @!p0 [sflag:s8], $0x0  }
0x24: {  	s3 =	sadd.s32 $0x88, s3;
	s6 =	simm.s32 @!p1 $0x1082;
	[sflag:s4] =	ssyncset.s32 $0xFFFFF086  }
0x25: {  	[simem:s6], [sflag:s4] =	dma.local [hbm:s3], $0xF7A  }
0x26: {  	[smem:$0x3F99] =	sst s1;
	(tag) =	ssettag s2;
	_ =	strace s9  }
0x27: {  	s1 =	sld [smem:$0x3FA9]  }
0x28: {  	s2 =	sld [smem:$0x3FAA]  }
0x29: {  	s4 =	sld [smem:$0x3FAC]  }
0x2a: {  	p0 =	seq.s32 s5, $0x0;
	s5 =	sld [smem:$0x3FAD]  }
0x2b: {  	s6 =	sld [smem:$0x3FAE]  }
0x2c: {  	s7 =	sld [smem:$0x3FAF]  }
0x2d: {  	s3 =	simm.s32 $0x108;
	s8 =	sld [smem:$0x3FB0]  }
0x2e: {  	s3 =	simm.s32 @!p0 $0x1082;
	s9 =	sld [smem:$0x3FB1]  }
0x2f: {  	lr =	sadd.s32 s0, s3;
	s0 =	sld [smem:$0x3FA8]  }
0x30: {  	s3 =	sld [smem:$0x3FAB]  }
0x31: {  	[smem:$0x3FB4] =	sst s10  }
0x32: {  	s10 =	sld [smem:$0x3FB2];
	_ =	sdelay $0x3  }
0x33: {  	p0 =	seq.s32 s10, $0x1;
	s10 =	sld [smem:$0x3FB4];
	_ =	sdelay $0x3  }
0x34: {  	[smem:$0x3FB4] =	sst s10  }
0x35: {  	s10 =	sld [smem:$0x3FB3];
	_ =	sdelay $0x3  }
0x36: {  	p1 =	seq.s32 s10, $0x1;
	s10 =	sld [smem:$0x3FB4];
	_ =	sdelay $0x3  }
0x37: {  	[smem:$0x3FB4] =	sst s10  }
0x38: {  	s10 =	sld [smem:$0x3FB5]  }
0x39: {  	_ = 	snop;
	(pc) =	sbr.ind lr, $3  }
0x3a: {  	_ = 	snop  }
0x3b: {  	_ = 	snop  }
0x3c: {  	p2 =	seq.s32 s10, $0x1;
	s10 =	sld [smem:$0x3FB4]  }
0x3d: {  	_ =	shalt  }
0x3e: {  	_ =	shalt  }
0x3f: {  	_ =	shalt  }
0x40: {  	_ =	shalt  }
0x41: {  	_ =	shalt  }
0x42: {  	_ =	shalt  }
0x43: {  	_ =	shalt  }
0x44: {  	_ =	shalt  }
0x45: {  	_ =	shalt  }
0x46: {  	_ =	shalt  }
0x47: {  	_ =	shalt  }
0x48: {  	_ =	shalt  }
0x49: {  	_ =	shalt  }
0x4a: {  	_ =	shalt  }
0x4b: {  	_ =	shalt  }
0x4c: {  	_ =	shalt  }
0x4d: {  	_ =	shalt  }
0x4e: {  	_ =	shalt  }
0x4f: {  	_ =	shalt  }
0x50: {  	_ =	shalt  }
0x51: {  	_ =	shalt  }
0x52: {  	_ =	shalt  }
0x53: {  	_ =	shalt  }
0x54: {  	_ =	shalt  }
0x55: {  	_ =	shalt  }
0x56: {  	_ =	shalt  }
0x57: {  	_ =	shalt  }
0x58: {  	_ =	shalt  }
0x59: {  	_ =	shalt  }
0x5a: {  	_ =	shalt  }
0x5b: {  	_ =	shalt  }
0x5c: {  	_ =	shalt  }
0x5d: {  	_ =	shalt  }
0x5e: {  	_ =	shalt  }
0x5f: {  	_ =	shalt  }
0x60: {  	_ =	shalt  }
0x61: {  	_ =	shalt  }
0x62: {  	_ =	shalt  }
0x63: {  	_ =	shalt  }
0x64: {  	_ =	shalt  }
0x65: {  	_ =	shalt  }
0x66: {  	_ =	shalt  }
0x67: {  	_ =	shalt  }
0x68: {  	_ =	shalt  }
0x69: {  	_ =	shalt  }
0x6a: {  	_ =	shalt  }
0x6b: {  	_ =	shalt  }
0x6c: {  	_ =	shalt  }
0x6d: {  	_ =	shalt  }
0x6e: {  	_ =	shalt  }
0x6f: {  	_ =	shalt  }
0x70: {  	_ =	shalt  }
0x71: {  	_ =	shalt  }
0x72: {  	_ =	shalt  }
0x73: {  	_ =	shalt  }
0x74: {  	_ =	shalt  }
0x75: {  	_ =	shalt  }
0x76: {  	_ =	shalt  }
0x77: {  	_ =	shalt  }
0x78: {  	_ =	shalt  }
0x79: {  	_ =	shalt  }
0x7a: {  	_ =	shalt  }
0x7b: {  	_ =	shalt  }
0x7c: {  	_ =	shalt  }
0x7d: {  	_ =	shalt  }
0x7e: {  	_ =	shalt  }
0x7f: {  	_ =	shalt  }
0x80: {  	_ =	shalt  }
0x81: {  	_ =	shalt  }
0x82: {  	_ =	shalt  }
0x83: {  	_ =	shalt  }
0x84: {  	_ =	shalt  }
0x85: {  	_ =	shalt  }
0x86: {  	_ =	shalt  }
0x87: {  	_ =	shalt  }
.Lfunc_end0:
.L_simem_size_0:
called_computation.1_lowered:
.L_overlay_start_0:
0x88: {  	s2 =	sld [smem:$0x3FD9]  }
0x89: {  	s3 =	sld [smem:$0x3FFE];
	_ =	sdelay $0x1  }
0x8a: {  	s1 =	srdreg.scid  }
0x8b: {  	s0 =	sand.u32 $0x1, s1  }
0x8c: {  	s17 =	sshll.u32 s0, $0xA;
	s2 =	sadd.s32 s3, s2  }
0x8d: {  	s2 =	sadd.s32 s2, s17  }
0x8e: {  	[smem:$0x3FC0] =	sst s2  }
0x8f: {  	_ = 	snop  }
0x90: {  	s2 =	sld [smem:$0x3FD0];
	(tm) =	ssettm $0x1  }
0x91: {  	s18 =	sld [smem:$0x3FFB];
	_ =	sdelay $0x3  }
0x92: {  	_ =	strace s18  }
0x93: {  	s3 =	sld [smem:$0x3FFC];
	_ =	sdelay $0x3  }
0x94: {  	_ =	strace s3  }
0x95: {  	s3 =	sld [smem:$0x3FFD];
	_ =	sdelay $0x3  }
0x96: {  	_ =	strace s3  }
0x97: {  	_ =	strace $0x8FFFFFFF  }
0x98: {  	s19 =	sld [smem:$0x3FDB];
	_ =	sdelay $0x1  }
0x99: {  	s4 =	simm.s32 $_scs_section_size  }
0x9a: {  	s5 =	simm.s32 $_size__tile_overlayer_lowered;
	s6 =	simm.s32 $_tile_overlayer_lowered  }
0x9b: {  	s22 =	simm.s32 $0x1BFF;
	s21 =	sshll.u32 s6, $0x1;
	s3 =	sadd.s32 s4, s19  }
0x9c: {  	s7 =	simm.s32 $0x0;
	s20 =	sshll.u32 s5, $0x1;
	s5 =	sadd.s32 s21, s3  }
0x9d: {  	[timem:s7], [sflag:s22] =	dma.local [hbm:s5], s20  }
0x9e: {  	_ =	swait.ge [sflag:s22], s20  }
0x9f: {  	s4 =	ssub.s32 $0x0, s20;
	[sflag:s22] =	ssyncset.done $0x0  }
0xa0: {  	[sflag:s22] =	ssyncadd.s32 s4;
	_ =	sdelay $0x1  }
0xa1: {  	s23 =	simm.s32 $0x1B8B  }
0xa2: {  	_ =	swait.ge [sflag:s23], $0x1  }
0xa3: {  	[sflag:s23] =	ssyncset.done $0x0  }
0xa4: {  	s25 =	simm.s32 $0x1B8E;
	s24 =	sld [smem:$0x3FFE];
	[sflag:s23] =	ssyncadd.s32 $0xFFFFFFFF  }
0xa5: {  	s26 =	simm.s32 $execute0_lowered;
	[smem:$0x3FD2] =	sst s25  }
0xa6: {  	s5 =	sshll.u32 s26, $0x1;
	_ =	strace $0x80000049;
	[dreg:$0x1] =	wrdreg $0xFFFFFFFF  }
0xa7: {  	s28 =	simm.s32 $_size_execute0_lowered;
	s3 =	sadd.s32 s3, s5;
	[dreg:$0x0] =	wrdreg $0x0  }
0xa8: {  	s5 =	sshll.u32 s28, $0x1;
	[dreg:$0x2] =	wrdreg s3  }
0xa9: {  	[dreg:$0x3] =	wrdreg s5  }
0xaa: {  	[dreg:$0x4] =	wrdreg $0xC0  }
0xab: {  	_ =	task [dreg:s7], $0x5FFFF  }
0xac: {  	[dreg:$0x1] =	wrdreg $0xFFFFFFFF  }
0xad: {  	[dreg:$0x0] =	wrdreg $0x60  }
0xae: {  	[dreg:$0x2] =	wrdreg s24  }
0xaf: {  	[dreg:$0x3] =	wrdreg s2  }
0xb0: {  	[dreg:$0x4] =	wrdreg $0x7C000  }
0xb1: {  	[dreg:$0x5] =	wrdreg $0x9  }
0xb2: {  	_ =	task.clear_ibuf [dreg:s7], $0x6FFFF;
	_ =	strace $0x90000049  }
0xb3: {  	s29 =	simm.s32 $0x9;
	_ =	strace $0x8000004B  }
0xb4: {  	_ =	swait.ge [sflag:s29], $0x1  }
0xb5: {  	[sflag:s29] =	ssyncadd.s32 $0xFFFFFFFF  }
0xb6: {  	_ =	strace $0x9000004B  }
0xb7: {  	_ =	sfence  }
0xb8: {  	s30 =	sld [smem:$0x0];
	_ =	sdelay $0x2  }
0xb9: {  	s31 =	sshll.u32 s1, $0xD;
	s1 =	sshrl.u32 s1, $0x2  }
0xba: {  	s3 =	sand.u32 $0x4000, s31;
	s1 =	sadd.s32 s1, s30  }
0xbb: {  	s0 =	sor.u32 s3, s0;
	s1 =	sshll.u32 s1, $0x11  }
0xbc: {  	s0 =	sor.u32 s1, s0  }
0xbd: {  	s0 =	sadd.s32 $0x8F2B, s0  }
0xbe: {  	[sflag:s0] =	ssyncadd.remote.s32 $0x1  }
0xbf: {  	_ =	sfence.sel $0xFFFF  }
0xc0: {  	[dreg:$0x0] =	wrdreg $0xFFFFFFFF;
	(pc) =	sbr.abs _section_cstart, $3  }
0xc1: {  	[dreg:$0x1] =	wrdreg $0xFFFFFFFF  }
0xc2: {  	_ =	task.clear_ibuf [dreg:s7], $0x2FFFF;
	_ =	strace $0x9FFFFFFF  }
0xc3: {  	(tm) =	ssettm $0x7FFFFFFF  }
tec
execute0_lowered:
.L_overlay_start_1:
0x0: {  	(tag) =	ssettag $0x1  }
0x1: {  	s5 =	rddreg [dreg:$0x0]  }
0x2: {  	s6 =	rddreg [dreg:$0x1]  }
0x3: {  	s0 =	srdreg.scid;
	s2 =	rddreg [dreg:$0x2]  }
0x4: {  	s1 =	stileid.u32;
	s3 =	simm.s32 $0x0;
	s14 =	simm.s32 $0x80  }
0x5: {  	s7 =	sand.u32 $0x1, s0;
	s0 =	rddreg [dreg:$0x3];
	s11 =	smul.u32 $0x50000, s1  }
0x6: {  	s15 =	simm.s32 $0x3C00;
	[smem:$0x7FF] =	sst s3;
	s16 =	smul.u32 $0x2800, s1  }
0x7: {  	s12 =	sshll.u32 s1, $0x6;
	s4 =	sshll.u32 s7, $0x4;
	_ =	strace $0x8000004A  }
0x8: {  	s9 =	smul.u32 $0x28000, s7;
	s7 =	ssub.s32 $0x2, s7;
	s12 =	sor.u32 $0x1C01, s12  }
0x9: {  	s4 =	sor.u32 s1, s4;
	s30 =	sshrl.u32 s7, $0x1;
	s31 =	sshrl.u32 s11, $0x2  }
0xa: {  	s11 =	simm.s32 $0x1;
	s8 =	smul.u32 $0x2800, s4;
	s4 =	sadd.s32 $0x3600, s5  }
0xb: {  	s9 =	sadd.s32 s9, s5;
	s7 =	ssub.s32 s7, s30;
	s13 =	sadd.s32 s31, s2  }
0xc: {  	s17 =	sadd.s32 $0x85600, s9;
	s7 =	smax.u32 s7, $0x1;
	s8 =	sshrl.u32 s8, $0x3  }
0xd: {  	s13 =	sshrl.u32 s13, $0x3;
	s10 =	sadd.s32 s8, s5;
	s5 =	sadd.s32 s6, s8  }
0xe: {  	s6 =	sadd.s32 s4, s16;
	s16 =	sadd.s32 s16, s17;
	s17 =	simm.s32 $0x0  }
0xf: {  	s8 =	sadd.s32 $0x7B600, s10;
	s9 =	sadd.s32 $0x7B880, s10;
	s10 =	simm.s32 $0x1400  }
.LBB2_1:
0x10: {  	[tilespmem:s10], [sflag:$0x1] =	stream.linear.gather [hbm4b:s5+s3], $0x2800, $0x38;
	[tilespmem:$0x1BC00] =	vst v63  }
0x11: {  	_ =	swait.ge [sflag:s11], $0x2800  }
0x12: {  	[sflag:s11] =	ssyncset.done $0x0  }
0x13: {  	[sflag:s11] =	ssyncadd.s32 $0xFFFFD800  }
0x14: {  	[spmem:s13], [sflag:s12] =	dma.local [hbm:s6], $0x2800  }
0x15: {  	_ =	swait.ge [sflag:s11], $0x2800  }
0x16: {  	[sflag:s11] =	ssyncset.done $0x0  }
0x17: {  	[sflag:s11] =	ssyncadd.s32 $0xFFFFD800  }
0x18: {  	[bflag:$0x0] =	sbarrier.arrive $0xFFFF  }
0x19: {  	[tilespmem:s3], [sflag:$0x1] =	stream.linear.gather [hbm4b:s8+s3], $0x1400, $0x38;
	[tilespmem:$0x1BC00] =	vst v63  }
0x1a: {  	_ =	swait.ge [sflag:s11], $0x1400  }
0x1b: {  	[sflag:s11] =	ssyncset.done $0x0  }
0x1c: {  	s18 =	simm.s32 $0x0;
	[sflag:s11] =	ssyncadd.s32 $0xFFFFEC00  }
0x1d: {  	[tilespmem:s15], [sflag:$0x1] =	stream.indirect.gather [hbm4b:s4+s14], $0x80, s18, s14, $0xb8;
	[tilespmem:$0x1BC00] =	vst v63  }
0x1e: {  	_ =	swait.ge [sflag:s11], $0x4000  }
0x1f: {  	[sflag:s11] =	ssyncset.done $0x0  }
0x20: {  	s31 =	simm.s32 $0x1400;
	[sflag:s11] =	ssyncadd.s32 $0xFFFFC000  }
0x21: {  	[spmem:s2] =	stream.indirect.scatter.add.f32 [tilespmem:s15], [sflag:$0x1], $0x80, s31, s14, $0xb8;
	[tilespmem:$0x1BC00] =	vst v63  }
0x22: {  	_ =	swait.ge [sflag:s11], $0x4000  }
0x23: {  	s19 =	simm.s32 $0x400;
	s18 =	simm.s32 $0x200;
	[sflag:s11] =	ssyncset.done $0x0  }
.LBB2_2:
0x24: {  	s20 =	sshra.s32 s18, $0x2  }
0x25: {  	[sflag:s11] =	ssyncadd.s32 $0xFFFFC000;
	s18 =	smov.u32 s19;
	s21 =	sadd.s32 $0x200, s19  }
0x26: {  	[tilespmem:s15], [sflag:$0x1] =	stream.indirect.gather [hbm4b:s4+s14], $0x80, s20, s14, $0xb8;
	[tilespmem:$0x1BC00] =	vst v63  }
0x27: {  	p0 =	sne.s32 s19, $0x4E00;
	_ =	swait.ge [sflag:s11], $0x4000  }
.Ltmp0:
0x28: {  	[sflag:s11] =	ssyncset.done $0x0;
	(pc) =	sbr.rel @p0 .LBB2_2-.Ltmp0, $4  }
0x29: {  	s19 =	sadd.s32 $0x1400, s20;
	[sflag:s11] =	ssyncadd.s32 $0xFFFFC000  }
0x2a: {  	[spmem:s2] =	stream.indirect.scatter.add.f32 [tilespmem:s15], [sflag:$0x1], $0x80, s19, s14, $0xb8;
	[tilespmem:$0x1BC00] =	vst v63  }
0x2b: {  	_ =	swait.ge [sflag:s11], $0x4000  }
0x2c: {  	s19 =	smov.u32 s21;
	[sflag:s11] =	ssyncset.done $0x0  }
0x2d: {  	s18 =	sshra.s32 s18, $0x2;
	[sflag:s11] =	ssyncadd.s32 $0xFFFFC000  }
0x2e: {  	[tilespmem:s15], [sflag:$0x1] =	stream.indirect.gather [hbm4b:s4+s14], $0x80, s18, s14, $0xb8;
	[tilespmem:$0x1BC00] =	vst v63  }
0x2f: {  	_ =	swait.ge [sflag:s11], $0x4000  }
0x30: {  	[sflag:s11] =	ssyncset.done $0x0  }
0x31: {  	s18 =	sadd.s32 $0x1400, s18;
	[sflag:s11] =	ssyncadd.s32 $0xFFFFC000  }
0x32: {  	[spmem:s2] =	stream.indirect.scatter.add.f32 [tilespmem:s15], [sflag:$0x1], $0x80, s18, s14, $0xb8;
	[tilespmem:$0x1BC00] =	vst v63  }
0x33: {  	_ =	swait.ge [sflag:s11], $0x4000  }
0x34: {  	[sflag:s11] =	ssyncset.done $0x0  }
0x35: {  	s29 =	simm.s32 $0x0;
	[sflag:s11] =	ssyncadd.s32 $0xFFFFC000  }
0x36: {  	[tilespmem:s29], [sflag:$0x1] =	stream.linear.gather [hbm4b:s9+s29], $0x1400, $0x38;
	[tilespmem:$0x1BC00] =	vst v63  }
0x37: {  	_ =	swait.ge [sflag:s11], $0x1400  }
0x38: {  	[sflag:s11] =	ssyncset.done $0x0  }
0x39: {  	s30 =	simm.s32 $0x0;
	[sflag:s11] =	ssyncadd.s32 $0xFFFFEC00  }
0x3a: {  	[tilespmem:s15], [sflag:$0x1] =	stream.indirect.gather [hbm4b:s4+s14], $0x80, s30, s14, $0xb8;
	[tilespmem:$0x1BC00] =	vst v63  }
0x3b: {  	_ =	swait.ge [sflag:s11], $0x4000  }
0x3c: {  	[sflag:s11] =	ssyncset.done $0x0  }
0x3d: {  	s31 =	simm.s32 $0x2800;
	[sflag:s11] =	ssyncadd.s32 $0xFFFFC000  }
0x3e: {  	[spmem:s2] =	stream.indirect.scatter.add.f32 [tilespmem:s15], [sflag:$0x1], $0x80, s31, s14, $0xb8;
	[tilespmem:$0x1BC00] =	vst v63  }
0x3f: {  	_ =	swait.ge [sflag:s11], $0x4000  }
0x40: {  	s19 =	simm.s32 $0x400;
	s18 =	simm.s32 $0x200;
	[sflag:s11] =	ssyncset.done $0x0  }
.LBB2_4:
0x41: {  	s20 =	sshra.s32 s18, $0x2  }
0x42: {  	[sflag:s11] =	ssyncadd.s32 $0xFFFFC000;
	s18 =	smov.u32 s19;
	s21 =	sadd.s32 $0x200, s19  }
0x43: {  	[tilespmem:s15], [sflag:$0x1] =	stream.indirect.gather [hbm4b:s4+s14], $0x80, s20, s14, $0xb8;
	[tilespmem:$0x1BC00] =	vst v63  }
0x44: {  	p0 =	sne.s32 s19, $0x4E00;
	_ =	swait.ge [sflag:s11], $0x4000  }
.Ltmp1:
0x45: {  	[sflag:s11] =	ssyncset.done $0x0;
	(pc) =	sbr.rel @p0 .LBB2_4-.Ltmp1, $4  }
0x46: {  	s19 =	sadd.s32 $0x2800, s20;
	[sflag:s11] =	ssyncadd.s32 $0xFFFFC000  }
0x47: {  	[spmem:s2] =	stream.indirect.scatter.add.f32 [tilespmem:s15], [sflag:$0x1], $0x80, s19, s14, $0xb8;
	[tilespmem:$0x1BC00] =	vst v63  }
0x48: {  	_ =	swait.ge [sflag:s11], $0x4000  }
0x49: {  	s19 =	smov.u32 s21;
	[sflag:s11] =	ssyncset.done $0x0  }
0x4a: {  	s18 =	sshra.s32 s18, $0x2;
	[sflag:s11] =	ssyncadd.s32 $0xFFFFC000  }
0x4b: {  	[tilespmem:s15], [sflag:$0x1] =	stream.indirect.gather [hbm4b:s4+s14], $0x80, s18, s14, $0xb8;
	[tilespmem:$0x1BC00] =	vst v63  }
0x4c: {  	_ =	swait.ge [sflag:s11], $0x4000  }
0x4d: {  	[sflag:s11] =	ssyncset.done $0x0  }
0x4e: {  	s18 =	sadd.s32 $0x2800, s18;
	[sflag:s11] =	ssyncadd.s32 $0xFFFFC000  }
0x4f: {  	[spmem:s2] =	stream.indirect.scatter.add.f32 [tilespmem:s15], [sflag:$0x1], $0x80, s18, s14, $0xb8;
	[tilespmem:$0x1BC00] =	vst v63  }
0x50: {  	_ =	swait.ge [sflag:s11], $0x4000  }
0x51: {  	s17 =	sadd.s32 $0x1, s17;
	[sflag:s11] =	ssyncset.done $0x0  }
0x52: {  	p0 =	sne.s32 s17, s7;
	[sflag:s11] =	ssyncadd.s32 $0xFFFFC000  }
.Ltmp2:
0x53: {  	[bflag:$0x0] =	sbarrier.arrive $0xFFFF;
	(pc) =	sbr.rel @p0 .LBB2_1-.Ltmp2, $4  }
0x54: {  	[hbm:s16], [sflag:s12] =	dma.local [spmem:s13], $0x2800  }
0x55: {  	_ =	swait.ge [sflag:s11], $0x2800  }
0x56: {  	[sflag:s11] =	ssyncset.done $0x0  }
0x57: {  	[sflag:s11] =	ssyncadd.s32 $0xFFFFD800  }
0x58: {  	_ =	sfence.sel $0x180000  }
0x59: {  	[bflag:$0x0] =	sbarrier.arrive $0xFFFF  }
0x5a: {  	p0 =	sne.s32 s1, $0x0;
	_ =	strace $0x9000004A  }
0x5b: {  	s0 =	sadd.s32 @!p0 $0x100000, s0;
	[bflag:$0x2] =	sbarrier.arrive $0xFFFF  }
0x5c: {  	[sflag:s0] =	ssyncadd.tile.s32 @!p0 $0x1;
	_ =	shalt  }
.Lfunc_end2:
_tile_overlayer_lowered:
.L_overlay_start_2:
0x5d: {  	(tag) =	ssettag $0x2  }
0x5e: {  	s0 =	rddreg [dreg:$0x0];
	s2 =	stileid.u32  }
0x5f: {  	s1 =	rddreg [dreg:$0x1];
	p0 =	sne.s32 s2, $0x0  }
0x60: {  	s3 =	rddreg [dreg:$0x2];
	[bflag:$0x3] =	sbarrier.arrive $0xFFFF;
	s2 =	simm.s32 @!p0 $0x1C01  }
0x61: {  	[timem:s3], [sflag:s2] =	dma.local @!p0 [hbm:s0], s1  }
0x62: {  	s0 =	simm.s32 @!p0 $0x1  }
0x63: {  	_ =	swait.ge @!p0 [sflag:s0], s1  }
0x64: {  	s1 =	ssub.s32 @!p0 $0x0, s1;
	[sflag:s0] =	ssyncset.done @!p0 $0x0  }
0x65: {  	[sflag:s0] =	ssyncadd.s32 @!p0 s1  }
0x66: {  	[bflag:$0x3] =	sbarrier.arrive $0xFFFF  }
0x67: {  	_ =	shalt  }

// kernel: kernel.16.cloned.1.call-start
scs
__scs_entry_jumppad:
0x0: {  	(pc) =	sbr.rel $0x88, $3  }
0x1: {  	(tag) =	ssettag $0x0;
	lr =	simm.s32 $0x1  }
0x2: {  	[smem:$0x3F99] =	sst lr;
	_ =	strace $0xD0000000  }
0x3: {  	_ = 	snop  }
0x4: {  	_ = 	snop  }
0x5: {  	_ = 	snop  }
0x6: {  	_ = 	snop  }
0x7: {  	_ = 	snop  }
__scs_overlays_trampoline_lowered:
0x8: {  	[smem:$0x3FA8] =	sst s0  }
0x9: {  	[smem:$0x3FA9] =	sst s1  }
0xa: {  	[smem:$0x3FAA] =	sst s2  }
0xb: {  	[smem:$0x3FAB] =	sst s3  }
0xc: {  	[smem:$0x3FAC] =	sst s4  }
0xd: {  	[smem:$0x3FAD] =	sst s5  }
0xe: {  	[smem:$0x3FAE] =	sst s6  }
0xf: {  	[smem:$0x3FAF] =	sst s7  }
0x10: {  	[smem:$0x3FB0] =	sst s8  }
0x11: {  	[smem:$0x3FB1] =	sst s9;
	s0 =	simm.s32 @!p0 $0x0  }
0x12: {  	s1 =	sld [smem:$0x3F97];
	s0 =	simm.s32 @p0 $0x1  }
0x13: {  	[smem:$0x3FB2] =	sst s0;
	s0 =	simm.s32 @!p1 $0x0  }
0x14: {  	s2 =	sld [smem:$0x3F96];
	s0 =	simm.s32 @p1 $0x1  }
0x15: {  	[smem:$0x3FB3] =	sst s0;
	s0 =	simm.s32 @!p2 $0x0  }
0x16: {  	s3 =	sld [smem:$0x3FDB];
	s0 =	simm.s32 @p2 $0x1  }
0x17: {  	s4 =	simm.s32 $0x1BF5;
	[smem:$0x3FB5] =	sst s0  }
0x18: {  	s0 =	sld [smem:$0x3F98];
	_ =	swait.ge [sflag:s4], $0x0  }
0x19: {  	s7 =	sld [smem:$0x3F99]  }
0x1a: {  	s8 =	sadd.s32 $0xFFFFE003, lr  }
0x1b: {  	s9 =	sadd.s32 $0xFFFFFEF7, lr;
	s5 =	simm.s32 $0xFFFFFFFF;
	p2 =	slt.u32 s8, $0xFFFFF086  }
0x1c: {  	p1 =	slt.u32 s9, $0xF7A;
	s5 =	simm.s32 @!p2 $0x0  }
0x1d: {  	s5 =	simm.s32 @p1 $0x1;
	p0 =	seq.s32 s7, s2  }
0x1e: {  	s7 =	smul.u32 @!p0 $0xF7A, s2;
	p2 =	seq.s32 @!p0 s5, $0x0  }
0x1f: {  	s9 =	smul.u32 $0xF7A, s1;
	s8 =	simm.s32 @!p0 $0x1BF5;
	p2 =	por !p2, p0  }
0x20: {  	[sflag:s8] =	ssyncset.s32 @!p0 $0xFFFFF086;
	s6 =	sadd.s32 @!p0 s3, s7;
	s7 =	simm.s32 @!p0 $0x108  }
0x21: {  	s3 =	sadd.s32 s3, s9;
	s6 =	sadd.s32 @!p0 $0x88, s6;
	s7 =	simm.s32 @p2 $0x1082  }
0x22: {  	[simem:s7], [sflag:s8] =	dma.local @!p0 [hbm:s6], $0xF7A  }
0x23: {  	s9 =	sor.u32 $0xD0000000, s2;
	s6 =	simm.s32 $0x108;
	_ =	swait.ge @!p0 [sflag:s8], $0x0  }
0x24: {  	s3 =	sadd.s32 $0x88, s3;
	s6 =	simm.s32 @!p1 $0x1082;
	[sflag:s4] =	ssyncset.s32 $0xFFFFF086  }
0x25: {  	[simem:s6], [sflag:s4] =	dma.local [hbm:s3], $0xF7A  }
0x26: {  	[smem:$0x3F99] =	sst s1;
	(tag) =	ssettag s2;
	_ =	strace s9  }
0x27: {  	s1 =	sld [smem:$0x3FA9]  }
0x28: {  	s2 =	sld [smem:$0x3FAA]  }
0x29: {  	s4 =	sld [smem:$0x3FAC]  }
0x2a: {  	p0 =	seq.s32 s5, $0x0;
	s5 =	sld [smem:$0x3FAD]  }
0x2b: {  	s6 =	sld [smem:$0x3FAE]  }
0x2c: {  	s7 =	sld [smem:$0x3FAF]  }
0x2d: {  	s3 =	simm.s32 $0x108;
	s8 =	sld [smem:$0x3FB0]  }
0x2e: {  	s3 =	simm.s32 @!p0 $0x1082;
	s9 =	sld [smem:$0x3FB1]  }
0x2f: {  	lr =	sadd.s32 s0, s3;
	s0 =	sld [smem:$0x3FA8]  }
0x30: {  	s3 =	sld [smem:$0x3FAB]  }
0x31: {  	[smem:$0x3FB4] =	sst s10  }
0x32: {  	s10 =	sld [smem:$0x3FB2];
	_ =	sdelay $0x3  }
0x33: {  	p0 =	seq.s32 s10, $0x1;
	s10 =	sld [smem:$0x3FB4];
	_ =	sdelay $0x3  }
0x34: {  	[smem:$0x3FB4] =	sst s10  }
0x35: {  	s10 =	sld [smem:$0x3FB3];
	_ =	sdelay $0x3  }
0x36: {  	p1 =	seq.s32 s10, $0x1;
	s10 =	sld [smem:$0x3FB4];
	_ =	sdelay $0x3  }
0x37: {  	[smem:$0x3FB4] =	sst s10  }
0x38: {  	s10 =	sld [smem:$0x3FB5]  }
0x39: {  	_ = 	snop;
	(pc) =	sbr.ind lr, $3  }
0x3a: {  	_ = 	snop  }
0x3b: {  	_ = 	snop  }
0x3c: {  	p2 =	seq.s32 s10, $0x1;
	s10 =	sld [smem:$0x3FB4]  }
0x3d: {  	_ =	shalt  }
0x3e: {  	_ =	shalt  }
0x3f: {  	_ =	shalt  }
0x40: {  	_ =	shalt  }
0x41: {  	_ =	shalt  }
0x42: {  	_ =	shalt  }
0x43: {  	_ =	shalt  }
0x44: {  	_ =	shalt  }
0x45: {  	_ =	shalt  }
0x46: {  	_ =	shalt  }
0x47: {  	_ =	shalt  }
0x48: {  	_ =	shalt  }
0x49: {  	_ =	shalt  }
0x4a: {  	_ =	shalt  }
0x4b: {  	_ =	shalt  }
0x4c: {  	_ =	shalt  }
0x4d: {  	_ =	shalt  }
0x4e: {  	_ =	shalt  }
0x4f: {  	_ =	shalt  }
0x50: {  	_ =	shalt  }
0x51: {  	_ =	shalt  }
0x52: {  	_ =	shalt  }
0x53: {  	_ =	shalt  }
0x54: {  	_ =	shalt  }
0x55: {  	_ =	shalt  }
0x56: {  	_ =	shalt  }
0x57: {  	_ =	shalt  }
0x58: {  	_ =	shalt  }
0x59: {  	_ =	shalt  }
0x5a: {  	_ =	shalt  }
0x5b: {  	_ =	shalt  }
0x5c: {  	_ =	shalt  }
0x5d: {  	_ =	shalt  }
0x5e: {  	_ =	shalt  }
0x5f: {  	_ =	shalt  }
0x60: {  	_ =	shalt  }
0x61: {  	_ =	shalt  }
0x62: {  	_ =	shalt  }
0x63: {  	_ =	shalt  }
0x64: {  	_ =	shalt  }
0x65: {  	_ =	shalt  }
0x66: {  	_ =	shalt  }
0x67: {  	_ =	shalt  }
0x68: {  	_ =	shalt  }
0x69: {  	_ =	shalt  }
0x6a: {  	_ =	shalt  }
0x6b: {  	_ =	shalt  }
0x6c: {  	_ =	shalt  }
0x6d: {  	_ =	shalt  }
0x6e: {  	_ =	shalt  }
0x6f: {  	_ =	shalt  }
0x70: {  	_ =	shalt  }
0x71: {  	_ =	shalt  }
0x72: {  	_ =	shalt  }
0x73: {  	_ =	shalt  }
0x74: {  	_ =	shalt  }
0x75: {  	_ =	shalt  }
0x76: {  	_ =	shalt  }
0x77: {  	_ =	shalt  }
0x78: {  	_ =	shalt  }
0x79: {  	_ =	shalt  }
0x7a: {  	_ =	shalt  }
0x7b: {  	_ =	shalt  }
0x7c: {  	_ =	shalt  }
0x7d: {  	_ =	shalt  }
0x7e: {  	_ =	shalt  }
0x7f: {  	_ =	shalt  }
0x80: {  	_ =	shalt  }
0x81: {  	_ =	shalt  }
0x82: {  	_ =	shalt  }
0x83: {  	_ =	shalt  }
0x84: {  	_ =	shalt  }
0x85: {  	_ =	shalt  }
0x86: {  	_ =	shalt  }
0x87: {  	_ =	shalt  }
.Lfunc_end0:
.L_simem_size_0:
called_computation.2_lowered:
.L_overlay_start_0:
0x88: {  	s2 =	sld [smem:$0x3FD9]  }
0x89: {  	s3 =	sld [smem:$0x3FFE];
	_ =	sdelay $0x1  }
0x8a: {  	s1 =	srdreg.scid  }
0x8b: {  	s0 =	sand.u32 $0x1, s1  }
0x8c: {  	s17 =	sshll.u32 s0, $0xA;
	s2 =	sadd.s32 s3, s2  }
0x8d: {  	s2 =	sadd.s32 s2, s17  }
0x8e: {  	[smem:$0x3FC0] =	sst s2  }
0x8f: {  	_ = 	snop  }
0x90: {  	s2 =	sld [smem:$0x3FD0];
	(tm) =	ssettm $0x1  }
0x91: {  	s18 =	sld [smem:$0x3FFB];
	_ =	sdelay $0x3  }
0x92: {  	_ =	strace s18  }
0x93: {  	s3 =	sld [smem:$0x3FFC];
	_ =	sdelay $0x3  }
0x94: {  	_ =	strace s3  }
0x95: {  	s3 =	sld [smem:$0x3FFD];
	_ =	sdelay $0x3  }
0x96: {  	_ =	strace s3  }
0x97: {  	_ =	strace $0x8FFFFFFF  }
0x98: {  	s19 =	sld [smem:$0x3FDB];
	_ =	sdelay $0x1  }
0x99: {  	s4 =	simm.s32 $_scs_section_size  }
0x9a: {  	s5 =	simm.s32 $_size__tile_overlayer_lowered;
	s6 =	simm.s32 $_tile_overlayer_lowered  }
0x9b: {  	s22 =	simm.s32 $0x1BFF;
	s21 =	sshll.u32 s6, $0x1;
	s3 =	sadd.s32 s4, s19  }
0x9c: {  	s7 =	simm.s32 $0x0;
	s20 =	sshll.u32 s5, $0x1;
	s5 =	sadd.s32 s21, s3  }
0x9d: {  	[timem:s7], [sflag:s22] =	dma.local [hbm:s5], s20  }
0x9e: {  	_ =	swait.ge [sflag:s22], s20  }
0x9f: {  	s4 =	ssub.s32 $0x0, s20;
	[sflag:s22] =	ssyncset.done $0x0  }
0xa0: {  	[sflag:s22] =	ssyncadd.s32 s4;
	_ =	sdelay $0x1  }
0xa1: {  	s23 =	simm.s32 $0x1B8B  }
0xa2: {  	_ =	swait.ge [sflag:s23], $0x1  }
0xa3: {  	[sflag:s23] =	ssyncset.done $0x0  }
0xa4: {  	s25 =	simm.s32 $0x1B8E;
	s24 =	sld [smem:$0x3FFE];
	[sflag:s23] =	ssyncadd.s32 $0xFFFFFFFF  }
0xa5: {  	s26 =	simm.s32 $execute0_lowered;
	[smem:$0x3FD2] =	sst s25  }
0xa6: {  	s5 =	sshll.u32 s26, $0x1;
	_ =	strace $0x8000004C;
	[dreg:$0x1] =	wrdreg $0xFFFFFFFF  }
0xa7: {  	s28 =	simm.s32 $_size_execute0_lowered;
	s3 =	sadd.s32 s3, s5;
	[dreg:$0x0] =	wrdreg $0x0  }
0xa8: {  	s5 =	sshll.u32 s28, $0x1;
	[dreg:$0x2] =	wrdreg s3  }
0xa9: {  	[dreg:$0x3] =	wrdreg s5  }
0xaa: {  	[dreg:$0x4] =	wrdreg $0xC0  }
0xab: {  	_ =	task [dreg:s7], $0x5FFFF  }
0xac: {  	[dreg:$0x1] =	wrdreg $0xFFFFFFFF  }
0xad: {  	[dreg:$0x0] =	wrdreg $0x60  }
0xae: {  	[dreg:$0x2] =	wrdreg s24  }
0xaf: {  	[dreg:$0x3] =	wrdreg s2  }
0xb0: {  	[dreg:$0x4] =	wrdreg $0x7C000  }
0xb1: {  	[dreg:$0x5] =	wrdreg $0x9  }
0xb2: {  	_ =	task.clear_ibuf [dreg:s7], $0x6FFFF;
	_ =	strace $0x9000004C  }
0xb3: {  	s29 =	simm.s32 $0x9;
	_ =	strace $0x8000004E  }
0xb4: {  	_ =	swait.ge [sflag:s29], $0x1  }
0xb5: {  	[sflag:s29] =	ssyncadd.s32 $0xFFFFFFFF  }
0xb6: {  	_ =	strace $0x9000004E  }
0xb7: {  	_ =	sfence  }
0xb8: {  	s30 =	sld [smem:$0x0];
	_ =	sdelay $0x2  }
0xb9: {  	s31 =	sshll.u32 s1, $0xD;
	s1 =	sshrl.u32 s1, $0x2  }
0xba: {  	s3 =	sand.u32 $0x4000, s31;
	s1 =	sadd.s32 s1, s30  }
0xbb: {  	s0 =	sor.u32 s3, s0;
	s1 =	sshll.u32 s1, $0x11  }
0xbc: {  	s0 =	sor.u32 s1, s0  }
0xbd: {  	s0 =	sadd.s32 $0x8F2B, s0  }
0xbe: {  	[sflag:s0] =	ssyncadd.remote.s32 $0x1  }
0xbf: {  	_ =	sfence.sel $0xFFFF  }
0xc0: {  	[dreg:$0x0] =	wrdreg $0xFFFFFFFF;
	(pc) =	sbr.abs _section_cstart, $3  }
0xc1: {  	[dreg:$0x1] =	wrdreg $0xFFFFFFFF  }
0xc2: {  	_ =	task.clear_ibuf [dreg:s7], $0x2FFFF;
	_ =	strace $0x9FFFFFFF  }
0xc3: {  	(tm) =	ssettm $0x7FFFFFFF  }
tec
execute0_lowered:
.L_overlay_start_1:
0x0: {  	(tag) =	ssettag $0x1  }
0x1: {  	s5 =	rddreg [dreg:$0x0]  }
0x2: {  	s6 =	rddreg [dreg:$0x1]  }
0x3: {  	s0 =	srdreg.scid;
	s2 =	rddreg [dreg:$0x2]  }
0x4: {  	s1 =	stileid.u32;
	s3 =	simm.s32 $0x0;
	s14 =	simm.s32 $0x80  }
0x5: {  	s7 =	sand.u32 $0x1, s0;
	s0 =	rddreg [dreg:$0x3];
	s11 =	smul.u32 $0x50000, s1  }
0x6: {  	s15 =	simm.s32 $0x3C00;
	[smem:$0x7FF] =	sst s3;
	s16 =	smul.u32 $0x2800, s1  }
0x7: {  	s12 =	sshll.u32 s1, $0x6;
	s4 =	sshll.u32 s7, $0x4;
	_ =	strace $0x8000004D  }
0x8: {  	s9 =	smul.u32 $0x28000, s7;
	s7 =	ssub.s32 $0x2, s7;
	s12 =	sor.u32 $0x1C01, s12  }
0x9: {  	s4 =	sor.u32 s1, s4;
	s30 =	sshrl.u32 s7, $0x1;
	s31 =	sshrl.u32 s11, $0x2  }
0xa: {  	s11 =	simm.s32 $0x1;
	s8 =	smul.u32 $0x2800, s4;
	s4 =	sadd.s32 $0x3600, s5  }
0xb: {  	s9 =	sadd.s32 s9, s5;
	s7 =	ssub.s32 s7, s30;
	s13 =	sadd.s32 s31, s2  }
0xc: {  	s17 =	sadd.s32 $0x85600, s9;
	s7 =	smax.u32 s7, $0x1;
	s8 =	sshrl.u32 s8, $0x3  }
0xd: {  	s13 =	sshrl.u32 s13, $0x3;
	s10 =	sadd.s32 s8, s5;
	s5 =	sadd.s32 s6, s8  }
0xe: {  	s6 =	sadd.s32 s4, s16;
	s16 =	sadd.s32 s16, s17;
	s17 =	simm.s32 $0x0  }
0xf: {  	s8 =	sadd.s32 $0x7B600, s10;
	s9 =	sadd.s32 $0x7B880, s10;
	s10 =	simm.s32 $0x1400  }
.LBB2_1:
0x10: {  	[tilespmem:s10], [sflag:$0x1] =	stream.linear.gather [hbm4b:s5+s3], $0x2800, $0x38;
	[tilespmem:$0x1BC00] =	vst v63  }
0x11: {  	_ =	swait.ge [sflag:s11], $0x2800  }
0x12: {  	[sflag:s11] =	ssyncset.done $0x0  }
0x13: {  	[sflag:s11] =	ssyncadd.s32 $0xFFFFD800  }
0x14: {  	[spmem:s13], [sflag:s12] =	dma.local [hbm:s6], $0x2800  }
0x15: {  	_ =	swait.ge [sflag:s11], $0x2800  }
0x16: {  	[sflag:s11] =	ssyncset.done $0x0  }
0x17: {  	[sflag:s11] =	ssyncadd.s32 $0xFFFFD800  }
0x18: {  	[bflag:$0x0] =	sbarrier.arrive $0xFFFF  }
0x19: {  	[tilespmem:s3], [sflag:$0x1] =	stream.linear.gather [hbm4b:s8+s3], $0x1400, $0x38;
	[tilespmem:$0x1BC00] =	vst v63  }
0x1a: {  	_ =	swait.ge [sflag:s11], $0x1400  }
0x1b: {  	[sflag:s11] =	ssyncset.done $0x0  }
0x1c: {  	s18 =	simm.s32 $0x0;
	[sflag:s11] =	ssyncadd.s32 $0xFFFFEC00  }
0x1d: {  	[tilespmem:s15], [sflag:$0x1] =	stream.indirect.gather [hbm4b:s4+s14], $0x80, s18, s14, $0xb8;
	[tilespmem:$0x1BC00] =	vst v63  }
0x1e: {  	_ =	swait.ge [sflag:s11], $0x4000  }
0x1f: {  	[sflag:s11] =	ssyncset.done $0x0  }
0x20: {  	s31 =	simm.s32 $0x1400;
	[sflag:s11] =	ssyncadd.s32 $0xFFFFC000  }
0x21: {  	[spmem:s2] =	stream.indirect.scatter.add.f32 [tilespmem:s15], [sflag:$0x1], $0x80, s31, s14, $0xb8;
	[tilespmem:$0x1BC00] =	vst v63  }
0x22: {  	_ =	swait.ge [sflag:s11], $0x4000  }
0x23: {  	s19 =	simm.s32 $0x400;
	s18 =	simm.s32 $0x200;
	[sflag:s11] =	ssyncset.done $0x0  }
.LBB2_2:
0x24: {  	s20 =	sshra.s32 s18, $0x2  }
0x25: {  	[sflag:s11] =	ssyncadd.s32 $0xFFFFC000;
	s18 =	smov.u32 s19;
	s21 =	sadd.s32 $0x200, s19  }
0x26: {  	[tilespmem:s15], [sflag:$0x1] =	stream.indirect.gather [hbm4b:s4+s14], $0x80, s20, s14, $0xb8;
	[tilespmem:$0x1BC00] =	vst v63  }
0x27: {  	p0 =	sne.s32 s19, $0x4E00;
	_ =	swait.ge [sflag:s11], $0x4000  }
.Ltmp0:
0x28: {  	[sflag:s11] =	ssyncset.done $0x0;
	(pc) =	sbr.rel @p0 .LBB2_2-.Ltmp0, $4  }
0x29: {  	s19 =	sadd.s32 $0x1400, s20;
	[sflag:s11] =	ssyncadd.s32 $0xFFFFC000  }
0x2a: {  	[spmem:s2] =	stream.indirect.scatter.add.f32 [tilespmem:s15], [sflag:$0x1], $0x80, s19, s14, $0xb8;
	[tilespmem:$0x1BC00] =	vst v63  }
0x2b: {  	_ =	swait.ge [sflag:s11], $0x4000  }
0x2c: {  	s19 =	smov.u32 s21;
	[sflag:s11] =	ssyncset.done $0x0  }
0x2d: {  	s18 =	sshra.s32 s18, $0x2;
	[sflag:s11] =	ssyncadd.s32 $0xFFFFC000  }
0x2e: {  	[tilespmem:s15], [sflag:$0x1] =	stream.indirect.gather [hbm4b:s4+s14], $0x80, s18, s14, $0xb8;
	[tilespmem:$0x1BC00] =	vst v63  }
0x2f: {  	_ =	swait.ge [sflag:s11], $0x4000  }
0x30: {  	[sflag:s11] =	ssyncset.done $0x0  }
0x31: {  	s18 =	sadd.s32 $0x1400, s18;
	[sflag:s11] =	ssyncadd.s32 $0xFFFFC000  }
0x32: {  	[spmem:s2] =	stream.indirect.scatter.add.f32 [tilespmem:s15], [sflag:$0x1], $0x80, s18, s14, $0xb8;
	[tilespmem:$0x1BC00] =	vst v63  }
0x33: {  	_ =	swait.ge [sflag:s11], $0x4000  }
0x34: {  	[sflag:s11] =	ssyncset.done $0x0  }
0x35: {  	s29 =	simm.s32 $0x0;
	[sflag:s11] =	ssyncadd.s32 $0xFFFFC000  }
0x36: {  	[tilespmem:s29], [sflag:$0x1] =	stream.linear.gather [hbm4b:s9+s29], $0x1400, $0x38;
	[tilespmem:$0x1BC00] =	vst v63  }
0x37: {  	_ =	swait.ge [sflag:s11], $0x1400  }
0x38: {  	[sflag:s11] =	ssyncset.done $0x0  }
0x39: {  	s30 =	simm.s32 $0x0;
	[sflag:s11] =	ssyncadd.s32 $0xFFFFEC00  }
0x3a: {  	[tilespmem:s15], [sflag:$0x1] =	stream.indirect.gather [hbm4b:s4+s14], $0x80, s30, s14, $0xb8;
	[tilespmem:$0x1BC00] =	vst v63  }
0x3b: {  	_ =	swait.ge [sflag:s11], $0x4000  }
0x3c: {  	[sflag:s11] =	ssyncset.done $0x0  }
0x3d: {  	s31 =	simm.s32 $0x2800;
	[sflag:s11] =	ssyncadd.s32 $0xFFFFC000  }
0x3e: {  	[spmem:s2] =	stream.indirect.scatter.add.f32 [tilespmem:s15], [sflag:$0x1], $0x80, s31, s14, $0xb8;
	[tilespmem:$0x1BC00] =	vst v63  }
0x3f: {  	_ =	swait.ge [sflag:s11], $0x4000  }
0x40: {  	s19 =	simm.s32 $0x400;
	s18 =	simm.s32 $0x200;
	[sflag:s11] =	ssyncset.done $0x0  }
.LBB2_4:
0x41: {  	s20 =	sshra.s32 s18, $0x2  }
0x42: {  	[sflag:s11] =	ssyncadd.s32 $0xFFFFC000;
	s18 =	smov.u32 s19;
	s21 =	sadd.s32 $0x200, s19  }
0x43: {  	[tilespmem:s15], [sflag:$0x1] =	stream.indirect.gather [hbm4b:s4+s14], $0x80, s20, s14, $0xb8;
	[tilespmem:$0x1BC00] =	vst v63  }
0x44: {  	p0 =	sne.s32 s19, $0x4E00;
	_ =	swait.ge [sflag:s11], $0x4000  }
.Ltmp1:
0x45: {  	[sflag:s11] =	ssyncset.done $0x0;
	(pc) =	sbr.rel @p0 .LBB2_4-.Ltmp1, $4  }
0x46: {  	s19 =	sadd.s32 $0x2800, s20;
	[sflag:s11] =	ssyncadd.s32 $0xFFFFC000  }
0x47: {  	[spmem:s2] =	stream.indirect.scatter.add.f32 [tilespmem:s15], [sflag:$0x1], $0x80, s19, s14, $0xb8;
	[tilespmem:$0x1BC00] =	vst v63  }
0x48: {  	_ =	swait.ge [sflag:s11], $0x4000  }
0x49: {  	s19 =	smov.u32 s21;
	[sflag:s11] =	ssyncset.done $0x0  }
0x4a: {  	s18 =	sshra.s32 s18, $0x2;
	[sflag:s11] =	ssyncadd.s32 $0xFFFFC000  }
0x4b: {  	[tilespmem:s15], [sflag:$0x1] =	stream.indirect.gather [hbm4b:s4+s14], $0x80, s18, s14, $0xb8;
	[tilespmem:$0x1BC00] =	vst v63  }
0x4c: {  	_ =	swait.ge [sflag:s11], $0x4000  }
0x4d: {  	[sflag:s11] =	ssyncset.done $0x0  }
0x4e: {  	s18 =	sadd.s32 $0x2800, s18;
	[sflag:s11] =	ssyncadd.s32 $0xFFFFC000  }
0x4f: {  	[spmem:s2] =	stream.indirect.scatter.add.f32 [tilespmem:s15], [sflag:$0x1], $0x80, s18, s14, $0xb8;
	[tilespmem:$0x1BC00] =	vst v63  }
0x50: {  	_ =	swait.ge [sflag:s11], $0x4000  }
0x51: {  	s17 =	sadd.s32 $0x1, s17;
	[sflag:s11] =	ssyncset.done $0x0  }
0x52: {  	p0 =	sne.s32 s17, s7;
	[sflag:s11] =	ssyncadd.s32 $0xFFFFC000  }
.Ltmp2:
0x53: {  	[bflag:$0x0] =	sbarrier.arrive $0xFFFF;
	(pc) =	sbr.rel @p0 .LBB2_1-.Ltmp2, $4  }
0x54: {  	[hbm:s16], [sflag:s12] =	dma.local [spmem:s13], $0x2800  }
0x55: {  	_ =	swait.ge [sflag:s11], $0x2800  }
0x56: {  	[sflag:s11] =	ssyncset.done $0x0  }
0x57: {  	[sflag:s11] =	ssyncadd.s32 $0xFFFFD800  }
0x58: {  	_ =	sfence.sel $0x180000  }
0x59: {  	[bflag:$0x0] =	sbarrier.arrive $0xFFFF  }
0x5a: {  	p0 =	sne.s32 s1, $0x0;
	_ =	strace $0x9000004D  }
0x5b: {  	s0 =	sadd.s32 @!p0 $0x100000, s0;
	[bflag:$0x2] =	sbarrier.arrive $0xFFFF  }
0x5c: {  	[sflag:s0] =	ssyncadd.tile.s32 @!p0 $0x1;
	_ =	shalt  }
.Lfunc_end2:
_tile_overlayer_lowered:
.L_overlay_start_2:
0x5d: {  	(tag) =	ssettag $0x2  }
0x5e: {  	s0 =	rddreg [dreg:$0x0];
	s2 =	stileid.u32  }
0x5f: {  	s1 =	rddreg [dreg:$0x1];
	p0 =	sne.s32 s2, $0x0  }
0x60: {  	s3 =	rddreg [dreg:$0x2];
	[bflag:$0x3] =	sbarrier.arrive $0xFFFF;
	s2 =	simm.s32 @!p0 $0x1C01  }
0x61: {  	[timem:s3], [sflag:s2] =	dma.local @!p0 [hbm:s0], s1  }
0x62: {  	s0 =	simm.s32 @!p0 $0x1  }
0x63: {  	_ =	swait.ge @!p0 [sflag:s0], s1  }
0x64: {  	s1 =	ssub.s32 @!p0 $0x0, s1;
	[sflag:s0] =	ssyncset.done @!p0 $0x0  }
0x65: {  	[sflag:s0] =	ssyncadd.s32 @!p0 s1  }
0x66: {  	[bflag:$0x3] =	sbarrier.arrive $0xFFFF  }
0x67: {  	_ =	shalt  }

// kernel: kernel.19.cloned.1.call-start
scs
__scs_entry_jumppad:
0x0: {  	(pc) =	sbr.rel $0x88, $3  }
0x1: {  	(tag) =	ssettag $0x0;
	lr =	simm.s32 $0x1  }
0x2: {  	[smem:$0x3F99] =	sst lr;
	_ =	strace $0xD0000000  }
0x3: {  	_ = 	snop  }
0x4: {  	_ = 	snop  }
0x5: {  	_ = 	snop  }
0x6: {  	_ = 	snop  }
0x7: {  	_ = 	snop  }
__scs_overlays_trampoline_lowered:
0x8: {  	[smem:$0x3FA8] =	sst s0  }
0x9: {  	[smem:$0x3FA9] =	sst s1  }
0xa: {  	[smem:$0x3FAA] =	sst s2  }
0xb: {  	[smem:$0x3FAB] =	sst s3  }
0xc: {  	[smem:$0x3FAC] =	sst s4  }
0xd: {  	[smem:$0x3FAD] =	sst s5  }
0xe: {  	[smem:$0x3FAE] =	sst s6  }
0xf: {  	[smem:$0x3FAF] =	sst s7  }
0x10: {  	[smem:$0x3FB0] =	sst s8  }
0x11: {  	[smem:$0x3FB1] =	sst s9;
	s0 =	simm.s32 @!p0 $0x0  }
0x12: {  	s1 =	sld [smem:$0x3F97];
	s0 =	simm.s32 @p0 $0x1  }
0x13: {  	[smem:$0x3FB2] =	sst s0;
	s0 =	simm.s32 @!p1 $0x0  }
0x14: {  	s2 =	sld [smem:$0x3F96];
	s0 =	simm.s32 @p1 $0x1  }
0x15: {  	[smem:$0x3FB3] =	sst s0;
	s0 =	simm.s32 @!p2 $0x0  }
0x16: {  	s3 =	sld [smem:$0x3FDB];
	s0 =	simm.s32 @p2 $0x1  }
0x17: {  	s4 =	simm.s32 $0x1BF5;
	[smem:$0x3FB5] =	sst s0  }
0x18: {  	s0 =	sld [smem:$0x3F98];
	_ =	swait.ge [sflag:s4], $0x0  }
0x19: {  	s7 =	sld [smem:$0x3F99]  }
0x1a: {  	s8 =	sadd.s32 $0xFFFFE003, lr  }
0x1b: {  	s9 =	sadd.s32 $0xFFFFFEF7, lr;
	s5 =	simm.s32 $0xFFFFFFFF;
	p2 =	slt.u32 s8, $0xFFFFF086  }
0x1c: {  	p1 =	slt.u32 s9, $0xF7A;
	s5 =	simm.s32 @!p2 $0x0  }
0x1d: {  	s5 =	simm.s32 @p1 $0x1;
	p0 =	seq.s32 s7, s2  }
0x1e: {  	s7 =	smul.u32 @!p0 $0xF7A, s2;
	p2 =	seq.s32 @!p0 s5, $0x0  }
0x1f: {  	s9 =	smul.u32 $0xF7A, s1;
	s8 =	simm.s32 @!p0 $0x1BF5;
	p2 =	por !p2, p0  }
0x20: {  	[sflag:s8] =	ssyncset.s32 @!p0 $0xFFFFF086;
	s6 =	sadd.s32 @!p0 s3, s7;
	s7 =	simm.s32 @!p0 $0x108  }
0x21: {  	s3 =	sadd.s32 s3, s9;
	s6 =	sadd.s32 @!p0 $0x88, s6;
	s7 =	simm.s32 @p2 $0x1082  }
0x22: {  	[simem:s7], [sflag:s8] =	dma.local @!p0 [hbm:s6], $0xF7A  }
0x23: {  	s9 =	sor.u32 $0xD0000000, s2;
	s6 =	simm.s32 $0x108;
	_ =	swait.ge @!p0 [sflag:s8], $0x0  }
0x24: {  	s3 =	sadd.s32 $0x88, s3;
	s6 =	simm.s32 @!p1 $0x1082;
	[sflag:s4] =	ssyncset.s32 $0xFFFFF086  }
0x25: {  	[simem:s6], [sflag:s4] =	dma.local [hbm:s3], $0xF7A  }
0x26: {  	[smem:$0x3F99] =	sst s1;
	(tag) =	ssettag s2;
	_ =	strace s9  }
0x27: {  	s1 =	sld [smem:$0x3FA9]  }
0x28: {  	s2 =	sld [smem:$0x3FAA]  }
0x29: {  	s4 =	sld [smem:$0x3FAC]  }
0x2a: {  	p0 =	seq.s32 s5, $0x0;
	s5 =	sld [smem:$0x3FAD]  }
0x2b: {  	s6 =	sld [smem:$0x3FAE]  }
0x2c: {  	s7 =	sld [smem:$0x3FAF]  }
0x2d: {  	s3 =	simm.s32 $0x108;
	s8 =	sld [smem:$0x3FB0]  }
0x2e: {  	s3 =	simm.s32 @!p0 $0x1082;
	s9 =	sld [smem:$0x3FB1]  }
0x2f: {  	lr =	sadd.s32 s0, s3;
	s0 =	sld [smem:$0x3FA8]  }
0x30: {  	s3 =	sld [smem:$0x3FAB]  }
0x31: {  	[smem:$0x3FB4] =	sst s10  }
0x32: {  	s10 =	sld [smem:$0x3FB2];
	_ =	sdelay $0x3  }
0x33: {  	p0 =	seq.s32 s10, $0x1;
	s10 =	sld [smem:$0x3FB4];
	_ =	sdelay $0x3  }
0x34: {  	[smem:$0x3FB4] =	sst s10  }
0x35: {  	s10 =	sld [smem:$0x3FB3];
	_ =	sdelay $0x3  }
0x36: {  	p1 =	seq.s32 s10, $0x1;
	s10 =	sld [smem:$0x3FB4];
	_ =	sdelay $0x3  }
0x37: {  	[smem:$0x3FB4] =	sst s10  }
0x38: {  	s10 =	sld [smem:$0x3FB5]  }
0x39: {  	_ = 	snop;
	(pc) =	sbr.ind lr, $3  }
0x3a: {  	_ = 	snop  }
0x3b: {  	_ = 	snop  }
0x3c: {  	p2 =	seq.s32 s10, $0x1;
	s10 =	sld [smem:$0x3FB4]  }
0x3d: {  	_ =	shalt  }
0x3e: {  	_ =	shalt  }
0x3f: {  	_ =	shalt  }
0x40: {  	_ =	shalt  }
0x41: {  	_ =	shalt  }
0x42: {  	_ =	shalt  }
0x43: {  	_ =	shalt  }
0x44: {  	_ =	shalt  }
0x45: {  	_ =	shalt  }
0x46: {  	_ =	shalt  }
0x47: {  	_ =	shalt  }
0x48: {  	_ =	shalt  }
0x49: {  	_ =	shalt  }
0x4a: {  	_ =	shalt  }
0x4b: {  	_ =	shalt  }
0x4c: {  	_ =	shalt  }
0x4d: {  	_ =	shalt  }
0x4e: {  	_ =	shalt  }
0x4f: {  	_ =	shalt  }
0x50: {  	_ =	shalt  }
0x51: {  	_ =	shalt  }
0x52: {  	_ =	shalt  }
0x53: {  	_ =	shalt  }
0x54: {  	_ =	shalt  }
0x55: {  	_ =	shalt  }
0x56: {  	_ =	shalt  }
0x57: {  	_ =	shalt  }
0x58: {  	_ =	shalt  }
0x59: {  	_ =	shalt  }
0x5a: {  	_ =	shalt  }
0x5b: {  	_ =	shalt  }
0x5c: {  	_ =	shalt  }
0x5d: {  	_ =	shalt  }
0x5e: {  	_ =	shalt  }
0x5f: {  	_ =	shalt  }
0x60: {  	_ =	shalt  }
0x61: {  	_ =	shalt  }
0x62: {  	_ =	shalt  }
0x63: {  	_ =	shalt  }
0x64: {  	_ =	shalt  }
0x65: {  	_ =	shalt  }
0x66: {  	_ =	shalt  }
0x67: {  	_ =	shalt  }
0x68: {  	_ =	shalt  }
0x69: {  	_ =	shalt  }
0x6a: {  	_ =	shalt  }
0x6b: {  	_ =	shalt  }
0x6c: {  	_ =	shalt  }
0x6d: {  	_ =	shalt  }
0x6e: {  	_ =	shalt  }
0x6f: {  	_ =	shalt  }
0x70: {  	_ =	shalt  }
0x71: {  	_ =	shalt  }
0x72: {  	_ =	shalt  }
0x73: {  	_ =	shalt  }
0x74: {  	_ =	shalt  }
0x75: {  	_ =	shalt  }
0x76: {  	_ =	shalt  }
0x77: {  	_ =	shalt  }
0x78: {  	_ =	shalt  }
0x79: {  	_ =	shalt  }
0x7a: {  	_ =	shalt  }
0x7b: {  	_ =	shalt  }
0x7c: {  	_ =	shalt  }
0x7d: {  	_ =	shalt  }
0x7e: {  	_ =	shalt  }
0x7f: {  	_ =	shalt  }
0x80: {  	_ =	shalt  }
0x81: {  	_ =	shalt  }
0x82: {  	_ =	shalt  }
0x83: {  	_ =	shalt  }
0x84: {  	_ =	shalt  }
0x85: {  	_ =	shalt  }
0x86: {  	_ =	shalt  }
0x87: {  	_ =	shalt  }
.Lfunc_end0:
.L_simem_size_0:
called_computation.3_lowered:
.L_overlay_start_0:
0x88: {  	s2 =	sld [smem:$0x3FD9]  }
0x89: {  	s3 =	sld [smem:$0x3FFE];
	_ =	sdelay $0x1  }
0x8a: {  	s1 =	srdreg.scid  }
0x8b: {  	s0 =	sand.u32 $0x1, s1  }
0x8c: {  	s17 =	sshll.u32 s0, $0xA;
	s2 =	sadd.s32 s3, s2  }
0x8d: {  	s2 =	sadd.s32 s2, s17  }
0x8e: {  	[smem:$0x3FC0] =	sst s2  }
0x8f: {  	_ = 	snop  }
0x90: {  	s2 =	sld [smem:$0x3FD0];
	(tm) =	ssettm $0x1  }
0x91: {  	s18 =	sld [smem:$0x3FFB];
	_ =	sdelay $0x3  }
0x92: {  	_ =	strace s18  }
0x93: {  	s3 =	sld [smem:$0x3FFC];
	_ =	sdelay $0x3  }
0x94: {  	_ =	strace s3  }
0x95: {  	s3 =	sld [smem:$0x3FFD];
	_ =	sdelay $0x3  }
0x96: {  	_ =	strace s3  }
0x97: {  	_ =	strace $0x8FFFFFFF  }
0x98: {  	s19 =	sld [smem:$0x3FDB];
	_ =	sdelay $0x1  }
0x99: {  	s4 =	simm.s32 $_scs_section_size  }
0x9a: {  	s5 =	simm.s32 $_size__tile_overlayer_lowered;
	s6 =	simm.s32 $_tile_overlayer_lowered  }
0x9b: {  	s22 =	simm.s32 $0x1BFF;
	s21 =	sshll.u32 s6, $0x1;
	s3 =	sadd.s32 s4, s19  }
0x9c: {  	s7 =	simm.s32 $0x0;
	s20 =	sshll.u32 s5, $0x1;
	s5 =	sadd.s32 s21, s3  }
0x9d: {  	[timem:s7], [sflag:s22] =	dma.local [hbm:s5], s20  }
0x9e: {  	_ =	swait.ge [sflag:s22], s20  }
0x9f: {  	s4 =	ssub.s32 $0x0, s20;
	[sflag:s22] =	ssyncset.done $0x0  }
0xa0: {  	[sflag:s22] =	ssyncadd.s32 s4;
	_ =	sdelay $0x1  }
0xa1: {  	s23 =	simm.s32 $0x1B8B  }
0xa2: {  	_ =	swait.ge [sflag:s23], $0x1  }
0xa3: {  	[sflag:s23] =	ssyncset.done $0x0  }
0xa4: {  	s25 =	simm.s32 $0x1B8E;
	s24 =	sld [smem:$0x3FFE];
	[sflag:s23] =	ssyncadd.s32 $0xFFFFFFFF  }
0xa5: {  	s26 =	simm.s32 $execute0_lowered;
	[smem:$0x3FD2] =	sst s25  }
0xa6: {  	s5 =	sshll.u32 s26, $0x1;
	_ =	strace $0x8000004F;
	[dreg:$0x1] =	wrdreg $0xFFFFFFFF  }
0xa7: {  	s28 =	simm.s32 $_size_execute0_lowered;
	s3 =	sadd.s32 s3, s5;
	[dreg:$0x0] =	wrdreg $0x0  }
0xa8: {  	s5 =	sshll.u32 s28, $0x1;
	[dreg:$0x2] =	wrdreg s3  }
0xa9: {  	[dreg:$0x3] =	wrdreg s5  }
0xaa: {  	[dreg:$0x4] =	wrdreg $0xC0  }
0xab: {  	_ =	task [dreg:s7], $0x5FFFF  }
0xac: {  	[dreg:$0x1] =	wrdreg $0xFFFFFFFF  }
0xad: {  	[dreg:$0x0] =	wrdreg $0x60  }
0xae: {  	[dreg:$0x2] =	wrdreg s24  }
0xaf: {  	[dreg:$0x3] =	wrdreg s2  }
0xb0: {  	[dreg:$0x4] =	wrdreg $0x7C000  }
0xb1: {  	[dreg:$0x5] =	wrdreg $0x9  }
0xb2: {  	_ =	task.clear_ibuf [dreg:s7], $0x6FFFF;
	_ =	strace $0x9000004F  }
0xb3: {  	s29 =	simm.s32 $0x9;
	_ =	strace $0x80000051  }
0xb4: {  	_ =	swait.ge [sflag:s29], $0x1  }
0xb5: {  	[sflag:s29] =	ssyncadd.s32 $0xFFFFFFFF  }
0xb6: {  	_ =	strace $0x90000051  }
0xb7: {  	_ =	sfence  }
0xb8: {  	s30 =	sld [smem:$0x0];
	_ =	sdelay $0x2  }
0xb9: {  	s31 =	sshll.u32 s1, $0xD;
	s1 =	sshrl.u32 s1, $0x2  }
0xba: {  	s3 =	sand.u32 $0x4000, s31;
	s1 =	sadd.s32 s1, s30  }
0xbb: {  	s0 =	sor.u32 s3, s0;
	s1 =	sshll.u32 s1, $0x11  }
0xbc: {  	s0 =	sor.u32 s1, s0  }
0xbd: {  	s0 =	sadd.s32 $0x8F2B, s0  }
0xbe: {  	[sflag:s0] =	ssyncadd.remote.s32 $0x1  }
0xbf: {  	_ =	sfence.sel $0xFFFF  }
0xc0: {  	[dreg:$0x0] =	wrdreg $0xFFFFFFFF;
	(pc) =	sbr.abs _section_cstart, $3  }
0xc1: {  	[dreg:$0x1] =	wrdreg $0xFFFFFFFF  }
0xc2: {  	_ =	task.clear_ibuf [dreg:s7], $0x2FFFF;
	_ =	strace $0x9FFFFFFF  }
0xc3: {  	(tm) =	ssettm $0x7FFFFFFF  }
tec
execute0_lowered:
.L_overlay_start_1:
0x0: {  	(tag) =	ssettag $0x1  }
0x1: {  	s5 =	rddreg [dreg:$0x0]  }
0x2: {  	s6 =	rddreg [dreg:$0x1]  }
0x3: {  	s0 =	srdreg.scid;
	s2 =	rddreg [dreg:$0x2]  }
0x4: {  	s1 =	stileid.u32;
	s3 =	simm.s32 $0x0;
	s14 =	simm.s32 $0x80  }
0x5: {  	s7 =	sand.u32 $0x1, s0;
	s0 =	rddreg [dreg:$0x3];
	s11 =	smul.u32 $0x50000, s1  }
0x6: {  	s15 =	simm.s32 $0x3C00;
	[smem:$0x7FF] =	sst s3;
	s16 =	smul.u32 $0x2800, s1  }
0x7: {  	s12 =	sshll.u32 s1, $0x6;
	s4 =	sshll.u32 s7, $0x4;
	_ =	strace $0x80000050  }
0x8: {  	s9 =	smul.u32 $0x28000, s7;
	s7 =	ssub.s32 $0x2, s7;
	s12 =	sor.u32 $0x1C01, s12  }
0x9: {  	s4 =	sor.u32 s1, s4;
	s30 =	sshrl.u32 s7, $0x1;
	s31 =	sshrl.u32 s11, $0x2  }
0xa: {  	s11 =	simm.s32 $0x1;
	s8 =	smul.u32 $0x2800, s4;
	s4 =	sadd.s32 $0x3600, s5  }
0xb: {  	s9 =	sadd.s32 s9, s5;
	s7 =	ssub.s32 s7, s30;
	s13 =	sadd.s32 s31, s2  }
0xc: {  	s17 =	sadd.s32 $0x85600, s9;
	s7 =	smax.u32 s7, $0x1;
	s8 =	sshrl.u32 s8, $0x3  }
0xd: {  	s13 =	sshrl.u32 s13, $0x3;
	s10 =	sadd.s32 s8, s5;
	s5 =	sadd.s32 s6, s8  }
0xe: {  	s6 =	sadd.s32 s4, s16;
	s16 =	sadd.s32 s16, s17;
	s17 =	simm.s32 $0x0  }
0xf: {  	s8 =	sadd.s32 $0x7B600, s10;
	s9 =	sadd.s32 $0x7B880, s10;
	s10 =	simm.s32 $0x1400  }
.LBB2_1:
0x10: {  	[tilespmem:s10], [sflag:$0x1] =	stream.linear.gather [hbm4b:s5+s3], $0x2800, $0x38;
	[tilespmem:$0x1BC00] =	vst v63  }
0x11: {  	_ =	swait.ge [sflag:s11], $0x2800  }
0x12: {  	[sflag:s11] =	ssyncset.done $0x0  }
0x13: {  	[sflag:s11] =	ssyncadd.s32 $0xFFFFD800  }
0x14: {  	[spmem:s13], [sflag:s12] =	dma.local [hbm:s6], $0x2800  }
0x15: {  	_ =	swait.ge [sflag:s11], $0x2800  }
0x16: {  	[sflag:s11] =	ssyncset.done $0x0  }
0x17: {  	[sflag:s11] =	ssyncadd.s32 $0xFFFFD800  }
0x18: {  	[bflag:$0x0] =	sbarrier.arrive $0xFFFF  }
0x19: {  	[tilespmem:s3], [sflag:$0x1] =	stream.linear.gather [hbm4b:s8+s3], $0x1400, $0x38;
	[tilespmem:$0x1BC00] =	vst v63  }
0x1a: {  	_ =	swait.ge [sflag:s11], $0x1400  }
0x1b: {  	[sflag:s11] =	ssyncset.done $0x0  }
0x1c: {  	s18 =	simm.s32 $0x0;
	[sflag:s11] =	ssyncadd.s32 $0xFFFFEC00  }
0x1d: {  	[tilespmem:s15], [sflag:$0x1] =	stream.indirect.gather [hbm4b:s4+s14], $0x80, s18, s14, $0xb8;
	[tilespmem:$0x1BC00] =	vst v63  }
0x1e: {  	_ =	swait.ge [sflag:s11], $0x4000  }
0x1f: {  	[sflag:s11] =	ssyncset.done $0x0  }
0x20: {  	s31 =	simm.s32 $0x1400;
	[sflag:s11] =	ssyncadd.s32 $0xFFFFC000  }
0x21: {  	[spmem:s2] =	stream.indirect.scatter.add.f32 [tilespmem:s15], [sflag:$0x1], $0x80, s31, s14, $0xb8;
	[tilespmem:$0x1BC00] =	vst v63  }
0x22: {  	_ =	swait.ge [sflag:s11], $0x4000  }
0x23: {  	s19 =	simm.s32 $0x400;
	s18 =	simm.s32 $0x200;
	[sflag:s11] =	ssyncset.done $0x0  }
.LBB2_2:
0x24: {  	s20 =	sshra.s32 s18, $0x2  }
0x25: {  	[sflag:s11] =	ssyncadd.s32 $0xFFFFC000;
	s18 =	smov.u32 s19;
	s21 =	sadd.s32 $0x200, s19  }
0x26: {  	[tilespmem:s15], [sflag:$0x1] =	stream.indirect.gather [hbm4b:s4+s14], $0x80, s20, s14, $0xb8;
	[tilespmem:$0x1BC00] =	vst v63  }
0x27: {  	p0 =	sne.s32 s19, $0x4E00;
	_ =	swait.ge [sflag:s11], $0x4000  }
.Ltmp0:
0x28: {  	[sflag:s11] =	ssyncset.done $0x0;
	(pc) =	sbr.rel @p0 .LBB2_2-.Ltmp0, $4  }
0x29: {  	s19 =	sadd.s32 $0x1400, s20;
	[sflag:s11] =	ssyncadd.s32 $0xFFFFC000  }
0x2a: {  	[spmem:s2] =	stream.indirect.scatter.add.f32 [tilespmem:s15], [sflag:$0x1], $0x80, s19, s14, $0xb8;
	[tilespmem:$0x1BC00] =	vst v63  }
0x2b: {  	_ =	swait.ge [sflag:s11], $0x4000  }
0x2c: {  	s19 =	smov.u32 s21;
	[sflag:s11] =	ssyncset.done $0x0  }
0x2d: {  	s18 =	sshra.s32 s18, $0x2;
	[sflag:s11] =	ssyncadd.s32 $0xFFFFC000  }
0x2e: {  	[tilespmem:s15], [sflag:$0x1] =	stream.indirect.gather [hbm4b:s4+s14], $0x80, s18, s14, $0xb8;
	[tilespmem:$0x1BC00] =	vst v63  }
0x2f: {  	_ =	swait.ge [sflag:s11], $0x4000  }
0x30: {  	[sflag:s11] =	ssyncset.done $0x0  }
0x31: {  	s18 =	sadd.s32 $0x1400, s18;
	[sflag:s11] =	ssyncadd.s32 $0xFFFFC000  }
0x32: {  	[spmem:s2] =	stream.indirect.scatter.add.f32 [tilespmem:s15], [sflag:$0x1], $0x80, s18, s14, $0xb8;
	[tilespmem:$0x1BC00] =	vst v63  }
0x33: {  	_ =	swait.ge [sflag:s11], $0x4000  }
0x34: {  	[sflag:s11] =	ssyncset.done $0x0  }
0x35: {  	s29 =	simm.s32 $0x0;
	[sflag:s11] =	ssyncadd.s32 $0xFFFFC000  }
0x36: {  	[tilespmem:s29], [sflag:$0x1] =	stream.linear.gather [hbm4b:s9+s29], $0x1400, $0x38;
	[tilespmem:$0x1BC00] =	vst v63  }
0x37: {  	_ =	swait.ge [sflag:s11], $0x1400  }
0x38: {  	[sflag:s11] =	ssyncset.done $0x0  }
0x39: {  	s30 =	simm.s32 $0x0;
	[sflag:s11] =	ssyncadd.s32 $0xFFFFEC00  }
0x3a: {  	[tilespmem:s15], [sflag:$0x1] =	stream.indirect.gather [hbm4b:s4+s14], $0x80, s30, s14, $0xb8;
	[tilespmem:$0x1BC00] =	vst v63  }
0x3b: {  	_ =	swait.ge [sflag:s11], $0x4000  }
0x3c: {  	[sflag:s11] =	ssyncset.done $0x0  }
0x3d: {  	s31 =	simm.s32 $0x2800;
	[sflag:s11] =	ssyncadd.s32 $0xFFFFC000  }
0x3e: {  	[spmem:s2] =	stream.indirect.scatter.add.f32 [tilespmem:s15], [sflag:$0x1], $0x80, s31, s14, $0xb8;
	[tilespmem:$0x1BC00] =	vst v63  }
0x3f: {  	_ =	swait.ge [sflag:s11], $0x4000  }
0x40: {  	s19 =	simm.s32 $0x400;
	s18 =	simm.s32 $0x200;
	[sflag:s11] =	ssyncset.done $0x0  }
.LBB2_4:
0x41: {  	s20 =	sshra.s32 s18, $0x2  }
0x42: {  	[sflag:s11] =	ssyncadd.s32 $0xFFFFC000;
	s18 =	smov.u32 s19;
	s21 =	sadd.s32 $0x200, s19  }
0x43: {  	[tilespmem:s15], [sflag:$0x1] =	stream.indirect.gather [hbm4b:s4+s14], $0x80, s20, s14, $0xb8;
	[tilespmem:$0x1BC00] =	vst v63  }
0x44: {  	p0 =	sne.s32 s19, $0x4E00;
	_ =	swait.ge [sflag:s11], $0x4000  }
.Ltmp1:
0x45: {  	[sflag:s11] =	ssyncset.done $0x0;
	(pc) =	sbr.rel @p0 .LBB2_4-.Ltmp1, $4  }
0x46: {  	s19 =	sadd.s32 $0x2800, s20;
	[sflag:s11] =	ssyncadd.s32 $0xFFFFC000  }
0x47: {  	[spmem:s2] =	stream.indirect.scatter.add.f32 [tilespmem:s15], [sflag:$0x1], $0x80, s19, s14, $0xb8;
	[tilespmem:$0x1BC00] =	vst v63  }
0x48: {  	_ =	swait.ge [sflag:s11], $0x4000  }
0x49: {  	s19 =	smov.u32 s21;
	[sflag:s11] =	ssyncset.done $0x0  }
0x4a: {  	s18 =	sshra.s32 s18, $0x2;
	[sflag:s11] =	ssyncadd.s32 $0xFFFFC000  }
0x4b: {  	[tilespmem:s15], [sflag:$0x1] =	stream.indirect.gather [hbm4b:s4+s14], $0x80, s18, s14, $0xb8;
	[tilespmem:$0x1BC00] =	vst v63  }
0x4c: {  	_ =	swait.ge [sflag:s11], $0x4000  }
0x4d: {  	[sflag:s11] =	ssyncset.done $0x0  }
0x4e: {  	s18 =	sadd.s32 $0x2800, s18;
	[sflag:s11] =	ssyncadd.s32 $0xFFFFC000  }
0x4f: {  	[spmem:s2] =	stream.indirect.scatter.add.f32 [tilespmem:s15], [sflag:$0x1], $0x80, s18, s14, $0xb8;
	[tilespmem:$0x1BC00] =	vst v63  }
0x50: {  	_ =	swait.ge [sflag:s11], $0x4000  }
0x51: {  	s17 =	sadd.s32 $0x1, s17;
	[sflag:s11] =	ssyncset.done $0x0  }
0x52: {  	p0 =	sne.s32 s17, s7;
	[sflag:s11] =	ssyncadd.s32 $0xFFFFC000  }
.Ltmp2:
0x53: {  	[bflag:$0x0] =	sbarrier.arrive $0xFFFF;
	(pc) =	sbr.rel @p0 .LBB2_1-.Ltmp2, $4  }
0x54: {  	[hbm:s16], [sflag:s12] =	dma.local [spmem:s13], $0x2800  }
0x55: {  	_ =	swait.ge [sflag:s11], $0x2800  }
0x56: {  	[sflag:s11] =	ssyncset.done $0x0  }
0x57: {  	[sflag:s11] =	ssyncadd.s32 $0xFFFFD800  }
0x58: {  	_ =	sfence.sel $0x180000  }
0x59: {  	[bflag:$0x0] =	sbarrier.arrive $0xFFFF  }
0x5a: {  	p0 =	sne.s32 s1, $0x0;
	_ =	strace $0x90000050  }
0x5b: {  	s0 =	sadd.s32 @!p0 $0x100000, s0;
	[bflag:$0x2] =	sbarrier.arrive $0xFFFF  }
0x5c: {  	[sflag:s0] =	ssyncadd.tile.s32 @!p0 $0x1;
	_ =	shalt  }
.Lfunc_end2:
_tile_overlayer_lowered:
.L_overlay_start_2:
0x5d: {  	(tag) =	ssettag $0x2  }
0x5e: {  	s0 =	rddreg [dreg:$0x0];
	s2 =	stileid.u32  }
0x5f: {  	s1 =	rddreg [dreg:$0x1];
	p0 =	sne.s32 s2, $0x0  }
0x60: {  	s3 =	rddreg [dreg:$0x2];
	[bflag:$0x3] =	sbarrier.arrive $0xFFFF;
	s2 =	simm.s32 @!p0 $0x1C01  }
0x61: {  	[timem:s3], [sflag:s2] =	dma.local @!p0 [hbm:s0], s1  }
0x62: {  	s0 =	simm.s32 @!p0 $0x1  }
0x63: {  	_ =	swait.ge @!p0 [sflag:s0], s1  }
0x64: {  	s1 =	ssub.s32 @!p0 $0x0, s1;
	[sflag:s0] =	ssyncset.done @!p0 $0x0  }
0x65: {  	[sflag:s0] =	ssyncadd.s32 @!p0 s1  }
0x66: {  	[bflag:$0x3] =	sbarrier.arrive $0xFFFF  }
0x67: {  	_ =	shalt  }

</sc_bundles>
